<compile_context>
chip_gen: v7x
topology: tpu7x:2x2x1
jax: 0.10.2.dev20260603
libtpu: 0.0.44.dev20260713+nightly
codegen_flags: <defaults>
</compile_context>

<pallas_src>
import functools

import jax
import jax.numpy as jnp
from jax import lax
from jax.experimental import pallas as pl
from jax.experimental.pallas import tpu as pltpu
from jax.experimental.pallas import tpu_sc as plsc

_B, _S, _D, _F, _E, _CAP = 4, 512, 768, 3072, 16, 160
_T = _B * _S
_NSLOT = _E * _CAP
_NW = 32


def _sc_gather(table, idx):
    n, d = idx.shape[0], table.shape[1]
    npw = n // _NW
    mesh = plsc.VectorSubcoreMesh(core_axis_name="c", subcore_axis_name="s")

    @functools.partial(
        pl.kernel,
        out_type=jax.ShapeDtypeStruct((n, d), table.dtype),
        mesh=mesh,
        scratch_types=[
            pltpu.VMEM((npw,), jnp.int32),
            pltpu.VMEM((npw, d), table.dtype),
            pltpu.SemaphoreType.DMA,
        ],
    )
    def k(table_hbm, idx_hbm, out_hbm, idx_v, rows_v, sem):
        wid = lax.axis_index("s") * 2 + lax.axis_index("c")
        base = wid * npw
        pltpu.sync_copy(idx_hbm.at[pl.ds(base, npw)], idx_v)
        pltpu.async_copy(table_hbm.at[idx_v], rows_v, sem).wait()
        pltpu.sync_copy(rows_v, out_hbm.at[pl.ds(base, npw)])

    return k(table, idx)


def _route_body(x_ref, eidx_ref, maskf_ref, lnw_ref, rw_ref,
                h_ref, slot_ref, w_ref, inv_ref):
    x = x_ref[...]
    var = jnp.mean(x * x, axis=1, keepdims=True)
    h = x * lax.rsqrt(var + 1e-6) * lnw_ref[...]
    h_ref[...] = h

    logits = lax.dot_general(h.astype(jnp.bfloat16),
                             rw_ref[...].astype(jnp.bfloat16),
                             (((1,), (0,)), ((), ())),
                             preferred_element_type=jnp.float32)
    lane = lax.broadcasted_iota(jnp.int32, (_T, 128), 1)
    logits = jnp.where(lane < _E, logits, jnp.float32(-1e30))
    mx = jnp.max(logits, axis=1, keepdims=True)
    ex = jnp.exp(logits - mx)
    probs = ex / jnp.sum(ex, axis=1, keepdims=True)
    eidx = eidx_ref[...]
    sel = lane == eidx
    eprob = jnp.sum(jnp.where(sel, probs, 0.0), axis=1, keepdims=True)

    onehot = sel.astype(jnp.float32)
    r = lax.broadcasted_iota(jnp.int32, (256, 256), 0)
    c = lax.broadcasted_iota(jnp.int32, (256, 256), 1)
    tril = (r >= c).astype(jnp.float32)
    run = jnp.zeros((1, 128), jnp.float32)
    parts = []
    for i in range(_T // 256):
        oh = onehot[i * 256:(i + 1) * 256]
        cnt = lax.dot_general(tril, oh, (((1,), (0,)), ((), ())),
                              preferred_element_type=jnp.float32) + run
        parts.append(jnp.sum(cnt * oh, axis=1, keepdims=True) - 1.0)
        run = run + jnp.sum(oh, axis=0, keepdims=True)
    pos = jnp.concatenate(parts, axis=0)

    keep = (pos < float(_CAP)) & (maskf_ref[...] > 0.0)
    slot_f = jnp.where(keep, eidx.astype(jnp.float32) * float(_CAP) + pos,
                       float(_NSLOT))
    slot_i = slot_f.astype(jnp.int32)
    slot_ref[...] = jnp.minimum(slot_i, _NSLOT - 1)
    w_ref[...] = eprob * keep.astype(jnp.float32)

    tvec1 = lax.broadcasted_iota(jnp.int32, (_T, 1), 0).astype(jnp.float32) + 1.0
    for j in range(_NSLOT // 512):
        su = lax.broadcasted_iota(jnp.int32, (1, 512), 1) + j * 512
        dflt = jnp.where(su >= _T, su - _T, su).astype(jnp.float32)
        m = slot_i == su
        invj = jnp.sum(jnp.where(m, tvec1, 0.0), axis=0, keepdims=True)
        inv_ref[j:j + 1, :] = jnp.where(invj > 0.0, invj - 1.0,
                                        dflt).astype(jnp.int32)


def _route(x, eidx, maskf, lnw2, rw_pad):
    return pl.pallas_call(
        _route_body,
        out_shape=(
            jax.ShapeDtypeStruct((_T, _D), jnp.float32),
            jax.ShapeDtypeStruct((_T, 1), jnp.int32),
            jax.ShapeDtypeStruct((_T, 1), jnp.float32),
            jax.ShapeDtypeStruct((_NSLOT // 512, 512), jnp.int32),
        ),
    )(x, eidx, maskf, lnw2, rw_pad)


def _ffn_body(eblk, ein_ref, wi_ref, wo_ref, out_ref):
    fb = pl.program_id(1)
    for i in range(eblk):
        a = ein_ref[i].astype(jnp.bfloat16)
        hh = lax.dot_general(a, wi_ref[i].astype(jnp.bfloat16),
                             (((1,), (0,)), ((), ())),
                             preferred_element_type=jnp.float32)
        hh = jnp.maximum(hh, 0.0).astype(jnp.bfloat16)
        part = lax.dot_general(hh, wo_ref[i].astype(jnp.bfloat16),
                               (((1,), (0,)), ((), ())),
                               preferred_element_type=jnp.float32)

        @pl.when(fb == 0)
        def _():
            out_ref[i] = part

        @pl.when(fb > 0)
        def _():
            out_ref[i] += part


def _ffn(ein3, wi, wo, fblk=1536, eblk=1):
    nfb = _F // fblk
    return pl.pallas_call(
        functools.partial(_ffn_body, eblk),
        grid=(_E // eblk, nfb),
        in_specs=[
            pl.BlockSpec((eblk, _CAP, _D), lambda e, f: (e, 0, 0)),
            pl.BlockSpec((eblk, _D, fblk), lambda e, f: (e, 0, f)),
            pl.BlockSpec((eblk, fblk, _D), lambda e, f: (e, f, 0)),
        ],
        out_specs=pl.BlockSpec((eblk, _CAP, _D), lambda e, f: (e, 0, 0)),
        out_shape=jax.ShapeDtypeStruct((_E, _CAP, _D), jnp.float32),
        compiler_params=pltpu.CompilerParams(
            dimension_semantics=("parallel", "arbitrary")),
    )(ein3, wi, wo)


def _combine_body(x_ref, y_ref, w_ref, o_ref):
    o_ref[...] = x_ref[...] + y_ref[...] * w_ref[...]


def _combine(x, y, w):
    nb = 8
    rb = _T // nb
    return pl.pallas_call(
        _combine_body,
        grid=(nb,),
        in_specs=[
            pl.BlockSpec((rb, _D), lambda i: (i, 0)),
            pl.BlockSpec((rb, _D), lambda i: (i, 0)),
            pl.BlockSpec((rb, 1), lambda i: (i, 0)),
        ],
        out_specs=pl.BlockSpec((rb, _D), lambda i: (i, 0)),
        out_shape=jax.ShapeDtypeStruct((_T, _D), jnp.float32),
    )(x, y, w)


def kernel(input_ids, attention_mask, labels, embed, ln_w, router_w, wi, wo):
    del labels
    ids = input_ids.reshape(_T).astype(jnp.int32)
    maskf = attention_mask.reshape(_T, 1).astype(jnp.float32)
    lnw2 = ln_w.reshape(1, _D)
    rw_pad = jnp.pad(router_w, ((0, 0), (0, 128 - _E)))

    x = _sc_gather(embed, ids)

    var = jnp.mean(jnp.square(x), axis=-1, keepdims=True)
    hx = x * lax.rsqrt(var + 1e-6) * ln_w
    eidx = jnp.argmax(jax.nn.softmax(hx @ router_w, axis=-1), axis=-1)
    eidx = eidx.astype(jnp.int32).reshape(_T, 1)

    h, slot, w, inv = _route(x, eidx, maskf, lnw2, rw_pad)
    ein = _sc_gather(h, inv.reshape(_NSLOT))
    eo = _ffn(ein.reshape(_E, _CAP, _D), wi, wo)
    y = _sc_gather(eo.reshape(_NSLOT, _D), slot.reshape(_T))
    out = _combine(x, y, w)
    return out.reshape(_B, _S, _D)

# --- scband reference (transcript-rebuilt; emitter-appended) ---
"""Pipeline reference for scband-mt-mo-e-73237782331877 (READ-ONLY COPY).

The authoritative reference and input builder live on the scoring server;
editing this copy changes nothing except your own understanding.
"""

import jax, jax.numpy as jnp
import numpy as np

B, S, D, F, E, CAP, VOCAB = 4, 512, 768, 3072, 16, 160, 32128

def setup_inputs(seed: int = 0):
    key = jax.random.key(seed)
    ks = jax.random.split(key, 8)
    input_ids = jax.random.randint(ks[0], (B, S), 0, 32100, dtype=jnp.int32)
    attention_mask = jnp.ones((B, S), dtype=jnp.int32)
    labels = jax.random.randint(ks[1], (B, S), 0, 32100, dtype=jnp.int32)
    embed = jax.random.normal(ks[2], (VOCAB, D), dtype=jnp.float32) * 0.02
    ln_w = jnp.ones((D,), dtype=jnp.float32)
    router_w = jax.random.normal(ks[3], (D, E), dtype=jnp.float32) * 0.02
    wi = jax.random.normal(ks[4], (E, D, F), dtype=jnp.float32) * 0.02
    wo = jax.random.normal(ks[5], (E, F, D), dtype=jnp.float32) * 0.02
    return {"input_ids": input_ids, "attention_mask": attention_mask, "labels": labels,
            "embed": embed, "ln_w": ln_w, "router_w": router_w, "wi": wi, "wo": wo}

def _switch_moe_layer(x_flat, mask_flat, ln_w, router_w, wi, wo):
    # T5-style RMS layer norm
    var = jnp.mean(jnp.square(x_flat), axis=-1, keepdims=True)
    h = x_flat * jax.lax.rsqrt(var + 1e-6) * ln_w
    # top-1 switch router
    logits = h @ router_w
    probs = jax.nn.softmax(logits, axis=-1)
    eidx = jnp.argmax(probs, axis=-1)
    eprob = jnp.max(probs, axis=-1)
    onehot = jax.nn.one_hot(eidx, E, dtype=jnp.int32)
    # position of each token within its chosen expert's queue
    pos = jnp.sum(jnp.cumsum(onehot, axis=0) * onehot, axis=-1) - 1
    keep = ((pos < CAP) & (mask_flat > 0)).astype(h.dtype)
    slot = jnp.where(keep > 0, eidx * CAP + pos, E * CAP)
    # scatter tokens into per-expert capacity buffers (dummy row E*CAP for dropped tokens)
    buf = jnp.zeros((E * CAP + 1, D), dtype=h.dtype).at[slot].set(h * keep[:, None])
    ein = buf[:E * CAP].reshape(E, CAP, D)
    # per-expert FFN: relu(x @ wi) @ wo
    hh = jax.nn.relu(jnp.einsum('ecd,edf->ecf', ein, wi))
    eo = jnp.einsum('ecf,efd->ecd', hh, wo).reshape(E * CAP, D)
    eo_pad = jnp.concatenate([eo, jnp.zeros((1, D), dtype=eo.dtype)], axis=0)
    # gather back and combine weighted by router probability; residual connection
    y = eo_pad[slot] * (eprob * keep)[:, None]
    return x_flat + y

def reference(input_ids, attention_mask, labels, embed, ln_w, router_w, wi, wo):
    x = jnp.take(embed, input_ids, axis=0)  # [B, S, D]
    out = _switch_moe_layer(x.reshape(-1, D), attention_mask.reshape(-1), ln_w, router_w, wi, wo)
    return out.reshape(B, S, D)

if __name__ == "__main__":
    import jax
    _d = setup_inputs()
    print(jax.jit(kernel)(*tuple(_d.values())))

</pallas_src>

<mosaic_0001>
#map = affine_map<(d0, d1) -> (0, 0)>
#map1 = affine_map<(d0, d1) -> (0)>
module attributes {stable_mosaic.version = 14 : i64} {
  func.func @k(%arg0: i32, %arg1: i32, %arg2: memref<2560x768xf32, #tpu.memory_space<hbm>>, %arg3: memref<2048xi32, #tpu.memory_space<hbm>>, %arg4: memref<2048x768xf32, #tpu.memory_space<hbm>>, %arg5: memref<64xi32, #tpu.memory_space<vmem>>, %arg6: memref<64x768xf32, #tpu.memory_space<vmem>>, %arg7: memref<!tpu.dma_semaphore, #tpu.memory_space<semaphore_mem>>) attributes {dimension_semantics = [#tpu.dimension_semantics<core_parallel>, #tpu.dimension_semantics<subcore_parallel>], iteration_bounds = array<i64: 2, 16>, scalar_prefetch = 0 : i64, scratch_operands = 3 : i64, tpu.core_type = #tpu.core_type<sc_vector_subcore>, window_params = [{transform_indices = #map}, {transform_indices = #map1}, {transform_indices = #map}]} {
    %mul3A = arith.constant 2 : i32
    %mul3A_0 = arith.muli %arg1, %mul3A : i32
    %add3A = arith.addi %mul3A_0, %arg0 : i32
    %mul3A_1 = arith.constant 64 : i32
    %mul3A_2 = arith.muli %add3A, %mul3A_1 : i32
    "tpu.region"() ({
      %run_scoped3A = tpu.sem_alloc : memref<!tpu.dma_semaphore, #tpu.memory_space<semaphore_mem>>
      %dma_start3A_7 = tpu.memref_slice %arg3[%mul3A_2] : memref<2048xi32, #tpu.memory_space<hbm>> -> memref<64xi32, #tpu.memory_space<hbm>>
      %dma_start3A_8 = tpu.memref_slice %arg3[%mul3A_2] : memref<2048xi32, #tpu.memory_space<hbm>> -> memref<64xi32, #tpu.memory_space<hbm>>
      tpu.enqueue_dma source(%dma_start3A_8 : memref<64xi32, #tpu.memory_space<hbm>>) target(%arg5 : memref<64xi32, #tpu.memory_space<vmem>>) target_semaphore(%run_scoped3A : memref<!tpu.dma_semaphore, #tpu.memory_space<semaphore_mem>>)
      %dma_wait3A_9 = tpu.memref_slice %arg3[%mul3A_2] : memref<2048xi32, #tpu.memory_space<hbm>> -> memref<64xi32, #tpu.memory_space<hbm>>
      %dma_wait3A_10 = tpu.memref_slice %arg3[%mul3A_2] : memref<2048xi32, #tpu.memory_space<hbm>> -> memref<64xi32, #tpu.memory_space<hbm>>
      tpu.wait_dma2 semaphore(%run_scoped3A : memref<!tpu.dma_semaphore, #tpu.memory_space<semaphore_mem>>) src(%dma_wait3A_10 : memref<64xi32, #tpu.memory_space<hbm>>) dst(%arg5 : memref<64xi32, #tpu.memory_space<vmem>>)
      tpu.yield
    }) : () -> ()
    %dma_start3A = arith.constant 0 : i32
    %dma_start3A_3 = arith.constant 0 : i32
    %dma_start3A_4 = tpu.memref_slice %arg2[%dma_start3A, %dma_start3A_3] : memref<2560x768xf32, #tpu.memory_space<hbm>> -> memref<2560x768xf32, #tpu.memory_space<hbm>>
    tpu.enqueue_indirect_dma source(%dma_start3A_4 : memref<2560x768xf32, #tpu.memory_space<hbm>>) target(%arg6 : memref<64x768xf32, #tpu.memory_space<vmem>>) offsets(%arg5 : memref<64xi32, #tpu.memory_space<vmem>>) semaphore(%arg7 : memref<!tpu.dma_semaphore, #tpu.memory_space<semaphore_mem>>)
    %dma_wait3A = arith.constant 0 : i32
    %dma_wait3A_5 = arith.constant 0 : i32
    %dma_wait3A_6 = tpu.memref_slice %arg2[%dma_wait3A, %dma_wait3A_5] : memref<2560x768xf32, #tpu.memory_space<hbm>> -> memref<2560x768xf32, #tpu.memory_space<hbm>>
    tpu.wait_indirect_dma semaphore(%arg7 : memref<!tpu.dma_semaphore, #tpu.memory_space<semaphore_mem>>) src(%dma_wait3A_6 : memref<2560x768xf32, #tpu.memory_space<hbm>>) dst(%arg6 : memref<64x768xf32, #tpu.memory_space<vmem>>)
    "tpu.region"() ({
      %run_scoped3A = tpu.sem_alloc : memref<!tpu.dma_semaphore, #tpu.memory_space<semaphore_mem>>
      %dma_start3A_7 = arith.constant 0 : i32
      %dma_start3A_8 = tpu.memref_slice %arg4[%mul3A_2, %dma_start3A_7] : memref<2048x768xf32, #tpu.memory_space<hbm>> -> memref<64x768xf32, #tpu.memory_space<hbm>>
      %dma_start3A_9 = arith.constant 0 : i32
      %dma_start3A_10 = tpu.memref_slice %arg4[%mul3A_2, %dma_start3A_9] : memref<2048x768xf32, #tpu.memory_space<hbm>> -> memref<64x768xf32, #tpu.memory_space<hbm>>
      tpu.enqueue_dma source(%arg6 : memref<64x768xf32, #tpu.memory_space<vmem>>) target(%dma_start3A_10 : memref<64x768xf32, #tpu.memory_space<hbm>>) target_semaphore(%run_scoped3A : memref<!tpu.dma_semaphore, #tpu.memory_space<semaphore_mem>>)
      %dma_wait3A_11 = arith.constant 0 : i32
      %dma_wait3A_12 = tpu.memref_slice %arg4[%mul3A_2, %dma_wait3A_11] : memref<2048x768xf32, #tpu.memory_space<hbm>> -> memref<64x768xf32, #tpu.memory_space<hbm>>
      %dma_wait3A_13 = arith.constant 0 : i32
      %dma_wait3A_14 = tpu.memref_slice %arg4[%mul3A_2, %dma_wait3A_13] : memref<2048x768xf32, #tpu.memory_space<hbm>> -> memref<64x768xf32, #tpu.memory_space<hbm>>
      tpu.wait_dma2 semaphore(%run_scoped3A : memref<!tpu.dma_semaphore, #tpu.memory_space<semaphore_mem>>) src(%arg6 : memref<64x768xf32, #tpu.memory_space<vmem>>) dst(%dma_wait3A_14 : memref<64x768xf32, #tpu.memory_space<hbm>>)
      tpu.yield
    }) : () -> ()
    return
  }
}

#map = affine_map<(d0, d1) -> (0, 0)>
#map1 = affine_map<(d0, d1) -> (0)>
module attributes {stable_mosaic.version = 14 : i64} {
  func.func @k(%arg0: i32, %arg1: i32, %arg2: memref<32128x768xf32, #tpu.memory_space<hbm>>, %arg3: memref<2048xi32, #tpu.memory_space<hbm>>, %arg4: memref<2048x768xf32, #tpu.memory_space<hbm>>, %arg5: memref<64xi32, #tpu.memory_space<vmem>>, %arg6: memref<64x768xf32, #tpu.memory_space<vmem>>, %arg7: memref<!tpu.dma_semaphore, #tpu.memory_space<semaphore_mem>>) attributes {dimension_semantics = [#tpu.dimension_semantics<core_parallel>, #tpu.dimension_semantics<subcore_parallel>], iteration_bounds = array<i64: 2, 16>, scalar_prefetch = 0 : i64, scratch_operands = 3 : i64, tpu.core_type = #tpu.core_type<sc_vector_subcore>, window_params = [{transform_indices = #map}, {transform_indices = #map1}, {transform_indices = #map}]} {
    %mul3A = arith.constant 2 : i32
    %mul3A_0 = arith.muli %arg1, %mul3A : i32
    %add3A = arith.addi %mul3A_0, %arg0 : i32
    %mul3A_1 = arith.constant 64 : i32
    %mul3A_2 = arith.muli %add3A, %mul3A_1 : i32
    "tpu.region"() ({
      %run_scoped3A = tpu.sem_alloc : memref<!tpu.dma_semaphore, #tpu.memory_space<semaphore_mem>>
      %dma_start3A_7 = tpu.memref_slice %arg3[%mul3A_2] : memref<2048xi32, #tpu.memory_space<hbm>> -> memref<64xi32, #tpu.memory_space<hbm>>
      %dma_start3A_8 = tpu.memref_slice %arg3[%mul3A_2] : memref<2048xi32, #tpu.memory_space<hbm>> -> memref<64xi32, #tpu.memory_space<hbm>>
      tpu.enqueue_dma source(%dma_start3A_8 : memref<64xi32, #tpu.memory_space<hbm>>) target(%arg5 : memref<64xi32, #tpu.memory_space<vmem>>) target_semaphore(%run_scoped3A : memref<!tpu.dma_semaphore, #tpu.memory_space<semaphore_mem>>)
      %dma_wait3A_9 = tpu.memref_slice %arg3[%mul3A_2] : memref<2048xi32, #tpu.memory_space<hbm>> -> memref<64xi32, #tpu.memory_space<hbm>>
      %dma_wait3A_10 = tpu.memref_slice %arg3[%mul3A_2] : memref<2048xi32, #tpu.memory_space<hbm>> -> memref<64xi32, #tpu.memory_space<hbm>>
      tpu.wait_dma2 semaphore(%run_scoped3A : memref<!tpu.dma_semaphore, #tpu.memory_space<semaphore_mem>>) src(%dma_wait3A_10 : memref<64xi32, #tpu.memory_space<hbm>>) dst(%arg5 : memref<64xi32, #tpu.memory_space<vmem>>)
      tpu.yield
    }) : () -> ()
    %dma_start3A = arith.constant 0 : i32
    %dma_start3A_3 = arith.constant 0 : i32
    %dma_start3A_4 = tpu.memref_slice %arg2[%dma_start3A, %dma_start3A_3] : memref<32128x768xf32, #tpu.memory_space<hbm>> -> memref<32128x768xf32, #tpu.memory_space<hbm>>
    tpu.enqueue_indirect_dma source(%dma_start3A_4 : memref<32128x768xf32, #tpu.memory_space<hbm>>) target(%arg6 : memref<64x768xf32, #tpu.memory_space<vmem>>) offsets(%arg5 : memref<64xi32, #tpu.memory_space<vmem>>) semaphore(%arg7 : memref<!tpu.dma_semaphore, #tpu.memory_space<semaphore_mem>>)
    %dma_wait3A = arith.constant 0 : i32
    %dma_wait3A_5 = arith.constant 0 : i32
    %dma_wait3A_6 = tpu.memref_slice %arg2[%dma_wait3A, %dma_wait3A_5] : memref<32128x768xf32, #tpu.memory_space<hbm>> -> memref<32128x768xf32, #tpu.memory_space<hbm>>
    tpu.wait_indirect_dma semaphore(%arg7 : memref<!tpu.dma_semaphore, #tpu.memory_space<semaphore_mem>>) src(%dma_wait3A_6 : memref<32128x768xf32, #tpu.memory_space<hbm>>) dst(%arg6 : memref<64x768xf32, #tpu.memory_space<vmem>>)
    "tpu.region"() ({
      %run_scoped3A = tpu.sem_alloc : memref<!tpu.dma_semaphore, #tpu.memory_space<semaphore_mem>>
      %dma_start3A_7 = arith.constant 0 : i32
      %dma_start3A_8 = tpu.memref_slice %arg4[%mul3A_2, %dma_start3A_7] : memref<2048x768xf32, #tpu.memory_space<hbm>> -> memref<64x768xf32, #tpu.memory_space<hbm>>
      %dma_start3A_9 = arith.constant 0 : i32
      %dma_start3A_10 = tpu.memref_slice %arg4[%mul3A_2, %dma_start3A_9] : memref<2048x768xf32, #tpu.memory_space<hbm>> -> memref<64x768xf32, #tpu.memory_space<hbm>>
      tpu.enqueue_dma source(%arg6 : memref<64x768xf32, #tpu.memory_space<vmem>>) target(%dma_start3A_10 : memref<64x768xf32, #tpu.memory_space<hbm>>) target_semaphore(%run_scoped3A : memref<!tpu.dma_semaphore, #tpu.memory_space<semaphore_mem>>)
      %dma_wait3A_11 = arith.constant 0 : i32
      %dma_wait3A_12 = tpu.memref_slice %arg4[%mul3A_2, %dma_wait3A_11] : memref<2048x768xf32, #tpu.memory_space<hbm>> -> memref<64x768xf32, #tpu.memory_space<hbm>>
      %dma_wait3A_13 = arith.constant 0 : i32
      %dma_wait3A_14 = tpu.memref_slice %arg4[%mul3A_2, %dma_wait3A_13] : memref<2048x768xf32, #tpu.memory_space<hbm>> -> memref<64x768xf32, #tpu.memory_space<hbm>>
      tpu.wait_dma2 semaphore(%run_scoped3A : memref<!tpu.dma_semaphore, #tpu.memory_space<semaphore_mem>>) src(%arg6 : memref<64x768xf32, #tpu.memory_space<vmem>>) dst(%dma_wait3A_14 : memref<64x768xf32, #tpu.memory_space<hbm>>)
      tpu.yield
    }) : () -> ()
    return
  }
}

#map = affine_map<(d0, d1) -> (0, 0)>
#map1 = affine_map<(d0, d1) -> (0)>
module attributes {stable_mosaic.version = 14 : i64} {
  func.func @k(%arg0: i32, %arg1: i32, %arg2: memref<2048x768xf32, #tpu.memory_space<hbm>>, %arg3: memref<2560xi32, #tpu.memory_space<hbm>>, %arg4: memref<2560x768xf32, #tpu.memory_space<hbm>>, %arg5: memref<80xi32, #tpu.memory_space<vmem>>, %arg6: memref<80x768xf32, #tpu.memory_space<vmem>>, %arg7: memref<!tpu.dma_semaphore, #tpu.memory_space<semaphore_mem>>) attributes {dimension_semantics = [#tpu.dimension_semantics<core_parallel>, #tpu.dimension_semantics<subcore_parallel>], iteration_bounds = array<i64: 2, 16>, scalar_prefetch = 0 : i64, scratch_operands = 3 : i64, tpu.core_type = #tpu.core_type<sc_vector_subcore>, window_params = [{transform_indices = #map}, {transform_indices = #map1}, {transform_indices = #map}]} {
    %mul3A = arith.constant 2 : i32
    %mul3A_0 = arith.muli %arg1, %mul3A : i32
    %add3A = arith.addi %mul3A_0, %arg0 : i32
    %mul3A_1 = arith.constant 80 : i32
    %mul3A_2 = arith.muli %add3A, %mul3A_1 : i32
    "tpu.region"() ({
      %run_scoped3A = tpu.sem_alloc : memref<!tpu.dma_semaphore, #tpu.memory_space<semaphore_mem>>
      %dma_start3A_7 = tpu.memref_slice %arg3[%mul3A_2] : memref<2560xi32, #tpu.memory_space<hbm>> -> memref<80xi32, #tpu.memory_space<hbm>>
      %dma_start3A_8 = tpu.memref_slice %arg3[%mul3A_2] : memref<2560xi32, #tpu.memory_space<hbm>> -> memref<80xi32, #tpu.memory_space<hbm>>
      tpu.enqueue_dma source(%dma_start3A_8 : memref<80xi32, #tpu.memory_space<hbm>>) target(%arg5 : memref<80xi32, #tpu.memory_space<vmem>>) target_semaphore(%run_scoped3A : memref<!tpu.dma_semaphore, #tpu.memory_space<semaphore_mem>>)
      %dma_wait3A_9 = tpu.memref_slice %arg3[%mul3A_2] : memref<2560xi32, #tpu.memory_space<hbm>> -> memref<80xi32, #tpu.memory_space<hbm>>
      %dma_wait3A_10 = tpu.memref_slice %arg3[%mul3A_2] : memref<2560xi32, #tpu.memory_space<hbm>> -> memref<80xi32, #tpu.memory_space<hbm>>
      tpu.wait_dma2 semaphore(%run_scoped3A : memref<!tpu.dma_semaphore, #tpu.memory_space<semaphore_mem>>) src(%dma_wait3A_10 : memref<80xi32, #tpu.memory_space<hbm>>) dst(%arg5 : memref<80xi32, #tpu.memory_space<vmem>>)
      tpu.yield
    }) : () -> ()
    %dma_start3A = arith.constant 0 : i32
    %dma_start3A_3 = arith.constant 0 : i32
    %dma_start3A_4 = tpu.memref_slice %arg2[%dma_start3A, %dma_start3A_3] : memref<2048x768xf32, #tpu.memory_space<hbm>> -> memref<2048x768xf32, #tpu.memory_space<hbm>>
    tpu.enqueue_indirect_dma source(%dma_start3A_4 : memref<2048x768xf32, #tpu.memory_space<hbm>>) target(%arg6 : memref<80x768xf32, #tpu.memory_space<vmem>>) offsets(%arg5 : memref<80xi32, #tpu.memory_space<vmem>>) semaphore(%arg7 : memref<!tpu.dma_semaphore, #tpu.memory_space<semaphore_mem>>)
    %dma_wait3A = arith.constant 0 : i32
    %dma_wait3A_5 = arith.constant 0 : i32
    %dma_wait3A_6 = tpu.memref_slice %arg2[%dma_wait3A, %dma_wait3A_5] : memref<2048x768xf32, #tpu.memory_space<hbm>> -> memref<2048x768xf32, #tpu.memory_space<hbm>>
    tpu.wait_indirect_dma semaphore(%arg7 : memref<!tpu.dma_semaphore, #tpu.memory_space<semaphore_mem>>) src(%dma_wait3A_6 : memref<2048x768xf32, #tpu.memory_space<hbm>>) dst(%arg6 : memref<80x768xf32, #tpu.memory_space<vmem>>)
    "tpu.region"() ({
      %run_scoped3A = tpu.sem_alloc : memref<!tpu.dma_semaphore, #tpu.memory_space<semaphore_mem>>
      %dma_start3A_7 = arith.constant 0 : i32
      %dma_start3A_8 = tpu.memref_slice %arg4[%mul3A_2, %dma_start3A_7] : memref<2560x768xf32, #tpu.memory_space<hbm>> -> memref<80x768xf32, #tpu.memory_space<hbm>>
      %dma_start3A_9 = arith.constant 0 : i32
      %dma_start3A_10 = tpu.memref_slice %arg4[%mul3A_2, %dma_start3A_9] : memref<2560x768xf32, #tpu.memory_space<hbm>> -> memref<80x768xf32, #tpu.memory_space<hbm>>
      tpu.enqueue_dma source(%arg6 : memref<80x768xf32, #tpu.memory_space<vmem>>) target(%dma_start3A_10 : memref<80x768xf32, #tpu.memory_space<hbm>>) target_semaphore(%run_scoped3A : memref<!tpu.dma_semaphore, #tpu.memory_space<semaphore_mem>>)
      %dma_wait3A_11 = arith.constant 0 : i32
      %dma_wait3A_12 = tpu.memref_slice %arg4[%mul3A_2, %dma_wait3A_11] : memref<2560x768xf32, #tpu.memory_space<hbm>> -> memref<80x768xf32, #tpu.memory_space<hbm>>
      %dma_wait3A_13 = arith.constant 0 : i32
      %dma_wait3A_14 = tpu.memref_slice %arg4[%mul3A_2, %dma_wait3A_13] : memref<2560x768xf32, #tpu.memory_space<hbm>> -> memref<80x768xf32, #tpu.memory_space<hbm>>
      tpu.wait_dma2 semaphore(%run_scoped3A : memref<!tpu.dma_semaphore, #tpu.memory_space<semaphore_mem>>) src(%arg6 : memref<80x768xf32, #tpu.memory_space<vmem>>) dst(%dma_wait3A_14 : memref<80x768xf32, #tpu.memory_space<hbm>>)
      tpu.yield
    }) : () -> ()
    return
  }
}

module attributes {stable_mosaic.version = 14 : i64} {
  func.func @_route_body(%arg0: memref<2048x768xf32, #tpu.memory_space<vmem>>, %arg1: memref<2048x1xi32, #tpu.memory_space<vmem>>, %arg2: memref<2048x1xf32, #tpu.memory_space<vmem>>, %arg3: memref<1x768xf32, #tpu.memory_space<vmem>>, %arg4: memref<768x128xf32, #tpu.memory_space<vmem>>, %arg5: memref<2048x768xf32, #tpu.memory_space<vmem>>, %arg6: memref<2048x1xi32, #tpu.memory_space<vmem>>, %arg7: memref<2048x1xf32, #tpu.memory_space<vmem>>, %arg8: memref<5x512xi32, #tpu.memory_space<vmem>>) attributes {dimension_semantics = [], scalar_prefetch = 0 : i64, scratch_operands = 0 : i64, tpu.core_type = #tpu.core_type<tc>} {
    %get3A = arith.constant 0 : index
    %get3A_0 = arith.constant 0 : index
    %get3A_1 = vector.load %arg0[%get3A, %get3A_0] : memref<2048x768xf32, #tpu.memory_space<vmem>>, vector<2048x768xf32>
    %mul3A = arith.mulf %get3A_1, %get3A_1 : vector<2048x768xf32>
    %reduce_sum3A = arith.constant dense<0.000000e+00> : vector<2048xf32>
    %reduce_sum3A_2 = vector.multi_reduction <add>, %mul3A, %reduce_sum3A [1] : vector<2048x768xf32> to vector<2048xf32>
    %broadcast_in_dim3A = vector.shape_cast %reduce_sum3A_2 : vector<2048xf32> to vector<2048x1xf32>
    %div3A = arith.constant 7.680000e+02 : f32
    %div3A_3 = vector.broadcast %div3A : f32 to vector<2048x1xf32>
    %div3A_4 = arith.divf %broadcast_in_dim3A, %div3A_3 : vector<2048x1xf32>
    %add3A = arith.constant 9.99999997E-7 : f32
    %add3A_5 = vector.broadcast %add3A : f32 to vector<2048x1xf32>
    %add3A_6 = arith.addf %div3A_4, %add3A_5 : vector<2048x1xf32>
    %rsqrt3A = math.rsqrt %add3A_6 : vector<2048x1xf32>
    %mul3A_7 = vector.broadcast %rsqrt3A : vector<2048x1xf32> to vector<2048x768xf32>
    %mul3A_8 = arith.mulf %get3A_1, %mul3A_7 : vector<2048x768xf32>
    %get3A_9 = arith.constant 0 : index
    %get3A_10 = arith.constant 0 : index
    %get3A_11 = vector.load %arg3[%get3A_9, %get3A_10] : memref<1x768xf32, #tpu.memory_space<vmem>>, vector<1x768xf32>
    %mul3A_12 = vector.broadcast %get3A_11 : vector<1x768xf32> to vector<2048x768xf32>
    %mul3A_13 = arith.mulf %mul3A_8, %mul3A_12 : vector<2048x768xf32>
    %swap3A = arith.constant 0 : index
    %swap3A_14 = arith.constant 0 : index
    %swap3A_15 = vector.load %arg5[%swap3A, %swap3A_14] : memref<2048x768xf32, #tpu.memory_space<vmem>>, vector<2048x768xf32>
    tpu.vector_store %arg5[%swap3A, %swap3A_14], %mul3A_13 {strides = array<i32>} : memref<2048x768xf32, #tpu.memory_space<vmem>>, vector<2048x768xf32>,
    %convert_element_type3A = arith.truncf %mul3A_13 : vector<2048x768xf32> to vector<2048x768xbf16>
    %get3A_16 = arith.constant 0 : index
    %get3A_17 = arith.constant 0 : index
    %get3A_18 = vector.load %arg4[%get3A_16, %get3A_17] : memref<768x128xf32, #tpu.memory_space<vmem>>, vector<768x128xf32>
    %convert_element_type3A_19 = arith.truncf %get3A_18 : vector<768x128xf32> to vector<768x128xbf16>
    %dot_general3A = arith.constant dense<0.000000e+00> : vector<2048x128xf32>
    %dot_general3A_20 = tpu.matmul %convert_element_type3A, %convert_element_type3A_19, %dot_general3A {dimension_numbers = #tpu.dot_dimension_numbers<[1], [0], [0], [1], [0, 0, 1, 1], [], []>, transpose_lhs_hint = false} : vector<2048x768xbf16>, vector<768x128xbf16>, vector<2048x128xf32> -> vector<2048x128xf32>
    %iota3A = tpu.iota {dimensions = array<i32: 1>} : vector<2048x128xi32>
    %lt3A = arith.constant 16 : i32
    %lt3A_21 = vector.broadcast %lt3A : i32 to vector<2048x128xi32>
    %lt3A_22 = arith.cmpi slt, %iota3A, %lt3A_21 : vector<2048x128xi32>
    %jit3A = arith.constant -1.000000e+30 : f32
    %broadcast_in_dim3A_23 = vector.broadcast %jit3A : f32 to vector<2048x128xf32>
    %select_n3A = arith.select %lt3A_22, %dot_general3A_20, %broadcast_in_dim3A_23 : vector<2048x128xi1>, vector<2048x128xf32>
    %reduce_max3A = arith.constant dense<0xFF800000> : vector<2048xf32>
    %reduce_max3A_24 = vector.multi_reduction <maximumf>, %select_n3A, %reduce_max3A [1] : vector<2048x128xf32> to vector<2048xf32>
    %broadcast_in_dim3A_25 = vector.shape_cast %reduce_max3A_24 : vector<2048xf32> to vector<2048x1xf32>
    %sub3A = vector.broadcast %broadcast_in_dim3A_25 : vector<2048x1xf32> to vector<2048x128xf32>
    %sub3A_26 = arith.subf %select_n3A, %sub3A : vector<2048x128xf32>
    %exp3A = math.exp %sub3A_26 : vector<2048x128xf32>
    %reduce_sum3A_27 = arith.constant dense<0.000000e+00> : vector<2048xf32>
    %reduce_sum3A_28 = vector.multi_reduction <add>, %exp3A, %reduce_sum3A_27 [1] : vector<2048x128xf32> to vector<2048xf32>
    %broadcast_in_dim3A_29 = vector.shape_cast %reduce_sum3A_28 : vector<2048xf32> to vector<2048x1xf32>
    %div3A_30 = vector.broadcast %broadcast_in_dim3A_29 : vector<2048x1xf32> to vector<2048x128xf32>
    %div3A_31 = arith.divf %exp3A, %div3A_30 : vector<2048x128xf32>
    %get3A_32 = arith.constant 0 : index
    %get3A_33 = arith.constant 0 : index
    %get3A_34 = vector.load %arg1[%get3A_32, %get3A_33] : memref<2048x1xi32, #tpu.memory_space<vmem>>, vector<2048x1xi32>
    %eq3A = vector.broadcast %get3A_34 : vector<2048x1xi32> to vector<2048x128xi32>
    %eq3A_35 = arith.cmpi eq, %iota3A, %eq3A : vector<2048x128xi32>
    %jit3A_36 = arith.constant 0.000000e+00 : f32
    %broadcast_in_dim3A_37 = vector.broadcast %jit3A_36 : f32 to vector<2048x128xf32>
    %select_n3A_38 = arith.select %eq3A_35, %div3A_31, %broadcast_in_dim3A_37 : vector<2048x128xi1>, vector<2048x128xf32>
    %reduce_sum3A_39 = arith.constant dense<0.000000e+00> : vector<2048xf32>
    %reduce_sum3A_40 = vector.multi_reduction <add>, %select_n3A_38, %reduce_sum3A_39 [1] : vector<2048x128xf32> to vector<2048xf32>
    %broadcast_in_dim3A_41 = vector.shape_cast %reduce_sum3A_40 : vector<2048xf32> to vector<2048x1xf32>
    %convert_element_type3A_42 = arith.extui %eq3A_35 : vector<2048x128xi1> to vector<2048x128xi32>
    %convert_element_type3A_43 = arith.sitofp %convert_element_type3A_42 : vector<2048x128xi32> to vector<2048x128xf32>
    %iota3A_44 = tpu.iota {dimensions = array<i32: 0>} : vector<256x256xi32>
    %iota3A_45 = tpu.iota {dimensions = array<i32: 1>} : vector<256x256xi32>
    %ge3A = arith.cmpi sge, %iota3A_44, %iota3A_45 : vector<256x256xi32>
    %convert_element_type3A_46 = arith.extui %ge3A : vector<256x256xi1> to vector<256x256xi32>
    %convert_element_type3A_47 = arith.sitofp %convert_element_type3A_46 : vector<256x256xi32> to vector<256x256xf32>
    %broadcast_in_dim3A_48 = arith.constant 0.000000e+00 : f32
    %broadcast_in_dim3A_49 = vector.broadcast %broadcast_in_dim3A_48 : f32 to vector<1x128xf32>
    %slice3A = vector.extract_strided_slice %convert_element_type3A_43 {offsets = [0, 0], sizes = [256, 128], strides = [1, 1]} : vector<2048x128xf32> to vector<256x128xf32>
    %dot_general3A_50 = arith.constant dense<0.000000e+00> : vector<256x128xf32>
    %dot_general3A_51 = tpu.matmul %convert_element_type3A_47, %slice3A, %dot_general3A_50 {dimension_numbers = #tpu.dot_dimension_numbers<[1], [0], [0], [1], [0, 0, 1, 1], [], []>, transpose_lhs_hint = false} : vector<256x256xf32>, vector<256x128xf32>, vector<256x128xf32> -> vector<256x128xf32>
    %add3A_52 = vector.broadcast %broadcast_in_dim3A_49 : vector<1x128xf32> to vector<256x128xf32>
    %add3A_53 = arith.addf %dot_general3A_51, %add3A_52 : vector<256x128xf32>
    %mul3A_54 = arith.mulf %add3A_53, %slice3A : vector<256x128xf32>
    %reduce_sum3A_55 = arith.constant dense<0.000000e+00> : vector<256xf32>
    %reduce_sum3A_56 = vector.multi_reduction <add>, %mul3A_54, %reduce_sum3A_55 [1] : vector<256x128xf32> to vector<256xf32>
    %broadcast_in_dim3A_57 = vector.shape_cast %reduce_sum3A_56 : vector<256xf32> to vector<256x1xf32>
    %sub3A_58 = arith.constant 1.000000e+00 : f32
    %sub3A_59 = vector.broadcast %sub3A_58 : f32 to vector<256x1xf32>
    %sub3A_60 = arith.subf %broadcast_in_dim3A_57, %sub3A_59 : vector<256x1xf32>
    %reduce_sum3A_61 = arith.constant dense<0.000000e+00> : vector<128xf32>
    %reduce_sum3A_62 = vector.multi_reduction <add>, %slice3A, %reduce_sum3A_61 [0] : vector<256x128xf32> to vector<128xf32>
    %broadcast_in_dim3A_63 = vector.shape_cast %reduce_sum3A_62 : vector<128xf32> to vector<1x128xf32>
    %add3A_64 = arith.addf %broadcast_in_dim3A_49, %broadcast_in_dim3A_63 : vector<1x128xf32>
    %slice3A_65 = vector.extract_strided_slice %convert_element_type3A_43 {offsets = [256, 0], sizes = [256, 128], strides = [1, 1]} : vector<2048x128xf32> to vector<256x128xf32>
    %dot_general3A_66 = arith.constant dense<0.000000e+00> : vector<256x128xf32>
    %dot_general3A_67 = tpu.matmul %convert_element_type3A_47, %slice3A_65, %dot_general3A_66 {dimension_numbers = #tpu.dot_dimension_numbers<[1], [0], [0], [1], [0, 0, 1, 1], [], []>, transpose_lhs_hint = false} : vector<256x256xf32>, vector<256x128xf32>, vector<256x128xf32> -> vector<256x128xf32>
    %add3A_68 = vector.broadcast %add3A_64 : vector<1x128xf32> to vector<256x128xf32>
    %add3A_69 = arith.addf %dot_general3A_67, %add3A_68 : vector<256x128xf32>
    %mul3A_70 = arith.mulf %add3A_69, %slice3A_65 : vector<256x128xf32>
    %reduce_sum3A_71 = arith.constant dense<0.000000e+00> : vector<256xf32>
    %reduce_sum3A_72 = vector.multi_reduction <add>, %mul3A_70, %reduce_sum3A_71 [1] : vector<256x128xf32> to vector<256xf32>
    %broadcast_in_dim3A_73 = vector.shape_cast %reduce_sum3A_72 : vector<256xf32> to vector<256x1xf32>
    %sub3A_74 = arith.constant 1.000000e+00 : f32
    %sub3A_75 = vector.broadcast %sub3A_74 : f32 to vector<256x1xf32>
    %sub3A_76 = arith.subf %broadcast_in_dim3A_73, %sub3A_75 : vector<256x1xf32>
    %reduce_sum3A_77 = arith.constant dense<0.000000e+00> : vector<128xf32>
    %reduce_sum3A_78 = vector.multi_reduction <add>, %slice3A_65, %reduce_sum3A_77 [0] : vector<256x128xf32> to vector<128xf32>
    %broadcast_in_dim3A_79 = vector.shape_cast %reduce_sum3A_78 : vector<128xf32> to vector<1x128xf32>
    %add3A_80 = arith.addf %add3A_64, %broadcast_in_dim3A_79 : vector<1x128xf32>
    %slice3A_81 = vector.extract_strided_slice %convert_element_type3A_43 {offsets = [512, 0], sizes = [256, 128], strides = [1, 1]} : vector<2048x128xf32> to vector<256x128xf32>
    %dot_general3A_82 = arith.constant dense<0.000000e+00> : vector<256x128xf32>
    %dot_general3A_83 = tpu.matmul %convert_element_type3A_47, %slice3A_81, %dot_general3A_82 {dimension_numbers = #tpu.dot_dimension_numbers<[1], [0], [0], [1], [0, 0, 1, 1], [], []>, transpose_lhs_hint = false} : vector<256x256xf32>, vector<256x128xf32>, vector<256x128xf32> -> vector<256x128xf32>
    %add3A_84 = vector.broadcast %add3A_80 : vector<1x128xf32> to vector<256x128xf32>
    %add3A_85 = arith.addf %dot_general3A_83, %add3A_84 : vector<256x128xf32>
    %mul3A_86 = arith.mulf %add3A_85, %slice3A_81 : vector<256x128xf32>
    %reduce_sum3A_87 = arith.constant dense<0.000000e+00> : vector<256xf32>
    %reduce_sum3A_88 = vector.multi_reduction <add>, %mul3A_86, %reduce_sum3A_87 [1] : vector<256x128xf32> to vector<256xf32>
    %broadcast_in_dim3A_89 = vector.shape_cast %reduce_sum3A_88 : vector<256xf32> to vector<256x1xf32>
    %sub3A_90 = arith.constant 1.000000e+00 : f32
    %sub3A_91 = vector.broadcast %sub3A_90 : f32 to vector<256x1xf32>
    %sub3A_92 = arith.subf %broadcast_in_dim3A_89, %sub3A_91 : vector<256x1xf32>
    %reduce_sum3A_93 = arith.constant dense<0.000000e+00> : vector<128xf32>
    %reduce_sum3A_94 = vector.multi_reduction <add>, %slice3A_81, %reduce_sum3A_93 [0] : vector<256x128xf32> to vector<128xf32>
    %broadcast_in_dim3A_95 = vector.shape_cast %reduce_sum3A_94 : vector<128xf32> to vector<1x128xf32>
    %add3A_96 = arith.addf %add3A_80, %broadcast_in_dim3A_95 : vector<1x128xf32>
    %slice3A_97 = vector.extract_strided_slice %convert_element_type3A_43 {offsets = [768, 0], sizes = [256, 128], strides = [1, 1]} : vector<2048x128xf32> to vector<256x128xf32>
    %dot_general3A_98 = arith.constant dense<0.000000e+00> : vector<256x128xf32>
    %dot_general3A_99 = tpu.matmul %convert_element_type3A_47, %slice3A_97, %dot_general3A_98 {dimension_numbers = #tpu.dot_dimension_numbers<[1], [0], [0], [1], [0, 0, 1, 1], [], []>, transpose_lhs_hint = false} : vector<256x256xf32>, vector<256x128xf32>, vector<256x128xf32> -> vector<256x128xf32>
    %add3A_100 = vector.broadcast %add3A_96 : vector<1x128xf32> to vector<256x128xf32>
    %add3A_101 = arith.addf %dot_general3A_99, %add3A_100 : vector<256x128xf32>
    %mul3A_102 = arith.mulf %add3A_101, %slice3A_97 : vector<256x128xf32>
    %reduce_sum3A_103 = arith.constant dense<0.000000e+00> : vector<256xf32>
    %reduce_sum3A_104 = vector.multi_reduction <add>, %mul3A_102, %reduce_sum3A_103 [1] : vector<256x128xf32> to vector<256xf32>
    %broadcast_in_dim3A_105 = vector.shape_cast %reduce_sum3A_104 : vector<256xf32> to vector<256x1xf32>
    %sub3A_106 = arith.constant 1.000000e+00 : f32
    %sub3A_107 = vector.broadcast %sub3A_106 : f32 to vector<256x1xf32>
    %sub3A_108 = arith.subf %broadcast_in_dim3A_105, %sub3A_107 : vector<256x1xf32>
    %reduce_sum3A_109 = arith.constant dense<0.000000e+00> : vector<128xf32>
    %reduce_sum3A_110 = vector.multi_reduction <add>, %slice3A_97, %reduce_sum3A_109 [0] : vector<256x128xf32> to vector<128xf32>
    %broadcast_in_dim3A_111 = vector.shape_cast %reduce_sum3A_110 : vector<128xf32> to vector<1x128xf32>
    %add3A_112 = arith.addf %add3A_96, %broadcast_in_dim3A_111 : vector<1x128xf32>
    %slice3A_113 = vector.extract_strided_slice %convert_element_type3A_43 {offsets = [1024, 0], sizes = [256, 128], strides = [1, 1]} : vector<2048x128xf32> to vector<256x128xf32>
    %dot_general3A_114 = arith.constant dense<0.000000e+00> : vector<256x128xf32>
    %dot_general3A_115 = tpu.matmul %convert_element_type3A_47, %slice3A_113, %dot_general3A_114 {dimension_numbers = #tpu.dot_dimension_numbers<[1], [0], [0], [1], [0, 0, 1, 1], [], []>, transpose_lhs_hint = false} : vector<256x256xf32>, vector<256x128xf32>, vector<256x128xf32> -> vector<256x128xf32>
    %add3A_116 = vector.broadcast %add3A_112 : vector<1x128xf32> to vector<256x128xf32>
    %add3A_117 = arith.addf %dot_general3A_115, %add3A_116 : vector<256x128xf32>
    %mul3A_118 = arith.mulf %add3A_117, %slice3A_113 : vector<256x128xf32>
    %reduce_sum3A_119 = arith.constant dense<0.000000e+00> : vector<256xf32>
    %reduce_sum3A_120 = vector.multi_reduction <add>, %mul3A_118, %reduce_sum3A_119 [1] : vector<256x128xf32> to vector<256xf32>
    %broadcast_in_dim3A_121 = vector.shape_cast %reduce_sum3A_120 : vector<256xf32> to vector<256x1xf32>
    %sub3A_122 = arith.constant 1.000000e+00 : f32
    %sub3A_123 = vector.broadcast %sub3A_122 : f32 to vector<256x1xf32>
    %sub3A_124 = arith.subf %broadcast_in_dim3A_121, %sub3A_123 : vector<256x1xf32>
    %reduce_sum3A_125 = arith.constant dense<0.000000e+00> : vector<128xf32>
    %reduce_sum3A_126 = vector.multi_reduction <add>, %slice3A_113, %reduce_sum3A_125 [0] : vector<256x128xf32> to vector<128xf32>
    %broadcast_in_dim3A_127 = vector.shape_cast %reduce_sum3A_126 : vector<128xf32> to vector<1x128xf32>
    %add3A_128 = arith.addf %add3A_112, %broadcast_in_dim3A_127 : vector<1x128xf32>
    %slice3A_129 = vector.extract_strided_slice %convert_element_type3A_43 {offsets = [1280, 0], sizes = [256, 128], strides = [1, 1]} : vector<2048x128xf32> to vector<256x128xf32>
    %dot_general3A_130 = arith.constant dense<0.000000e+00> : vector<256x128xf32>
    %dot_general3A_131 = tpu.matmul %convert_element_type3A_47, %slice3A_129, %dot_general3A_130 {dimension_numbers = #tpu.dot_dimension_numbers<[1], [0], [0], [1], [0, 0, 1, 1], [], []>, transpose_lhs_hint = false} : vector<256x256xf32>, vector<256x128xf32>, vector<256x128xf32> -> vector<256x128xf32>
    %add3A_132 = vector.broadcast %add3A_128 : vector<1x128xf32> to vector<256x128xf32>
    %add3A_133 = arith.addf %dot_general3A_131, %add3A_132 : vector<256x128xf32>
    %mul3A_134 = arith.mulf %add3A_133, %slice3A_129 : vector<256x128xf32>
    %reduce_sum3A_135 = arith.constant dense<0.000000e+00> : vector<256xf32>
    %reduce_sum3A_136 = vector.multi_reduction <add>, %mul3A_134, %reduce_sum3A_135 [1] : vector<256x128xf32> to vector<256xf32>
    %broadcast_in_dim3A_137 = vector.shape_cast %reduce_sum3A_136 : vector<256xf32> to vector<256x1xf32>
    %sub3A_138 = arith.constant 1.000000e+00 : f32
    %sub3A_139 = vector.broadcast %sub3A_138 : f32 to vector<256x1xf32>
    %sub3A_140 = arith.subf %broadcast_in_dim3A_137, %sub3A_139 : vector<256x1xf32>
    %reduce_sum3A_141 = arith.constant dense<0.000000e+00> : vector<128xf32>
    %reduce_sum3A_142 = vector.multi_reduction <add>, %slice3A_129, %reduce_sum3A_141 [0] : vector<256x128xf32> to vector<128xf32>
    %broadcast_in_dim3A_143 = vector.shape_cast %reduce_sum3A_142 : vector<128xf32> to vector<1x128xf32>
    %add3A_144 = arith.addf %add3A_128, %broadcast_in_dim3A_143 : vector<1x128xf32>
    %slice3A_145 = vector.extract_strided_slice %convert_element_type3A_43 {offsets = [1536, 0], sizes = [256, 128], strides = [1, 1]} : vector<2048x128xf32> to vector<256x128xf32>
    %dot_general3A_146 = arith.constant dense<0.000000e+00> : vector<256x128xf32>
    %dot_general3A_147 = tpu.matmul %convert_element_type3A_47, %slice3A_145, %dot_general3A_146 {dimension_numbers = #tpu.dot_dimension_numbers<[1], [0], [0], [1], [0, 0, 1, 1], [], []>, transpose_lhs_hint = false} : vector<256x256xf32>, vector<256x128xf32>, vector<256x128xf32> -> vector<256x128xf32>
    %add3A_148 = vector.broadcast %add3A_144 : vector<1x128xf32> to vector<256x128xf32>
    %add3A_149 = arith.addf %dot_general3A_147, %add3A_148 : vector<256x128xf32>
    %mul3A_150 = arith.mulf %add3A_149, %slice3A_145 : vector<256x128xf32>
    %reduce_sum3A_151 = arith.constant dense<0.000000e+00> : vector<256xf32>
    %reduce_sum3A_152 = vector.multi_reduction <add>, %mul3A_150, %reduce_sum3A_151 [1] : vector<256x128xf32> to vector<256xf32>
    %broadcast_in_dim3A_153 = vector.shape_cast %reduce_sum3A_152 : vector<256xf32> to vector<256x1xf32>
    %sub3A_154 = arith.constant 1.000000e+00 : f32
    %sub3A_155 = vector.broadcast %sub3A_154 : f32 to vector<256x1xf32>
    %sub3A_156 = arith.subf %broadcast_in_dim3A_153, %sub3A_155 : vector<256x1xf32>
    %reduce_sum3A_157 = arith.constant dense<0.000000e+00> : vector<128xf32>
    %reduce_sum3A_158 = vector.multi_reduction <add>, %slice3A_145, %reduce_sum3A_157 [0] : vector<256x128xf32> to vector<128xf32>
    %broadcast_in_dim3A_159 = vector.shape_cast %reduce_sum3A_158 : vector<128xf32> to vector<1x128xf32>
    %add3A_160 = arith.addf %add3A_144, %broadcast_in_dim3A_159 : vector<1x128xf32>
    %slice3A_161 = vector.extract_strided_slice %convert_element_type3A_43 {offsets = [1792, 0], sizes = [256, 128], strides = [1, 1]} : vector<2048x128xf32> to vector<256x128xf32>
    %dot_general3A_162 = arith.constant dense<0.000000e+00> : vector<256x128xf32>
    %dot_general3A_163 = tpu.matmul %convert_element_type3A_47, %slice3A_161, %dot_general3A_162 {dimension_numbers = #tpu.dot_dimension_numbers<[1], [0], [0], [1], [0, 0, 1, 1], [], []>, transpose_lhs_hint = false} : vector<256x256xf32>, vector<256x128xf32>, vector<256x128xf32> -> vector<256x128xf32>
    %add3A_164 = vector.broadcast %add3A_160 : vector<1x128xf32> to vector<256x128xf32>
    %add3A_165 = arith.addf %dot_general3A_163, %add3A_164 : vector<256x128xf32>
    %mul3A_166 = arith.mulf %add3A_165, %slice3A_161 : vector<256x128xf32>
    %reduce_sum3A_167 = arith.constant dense<0.000000e+00> : vector<256xf32>
    %reduce_sum3A_168 = vector.multi_reduction <add>, %mul3A_166, %reduce_sum3A_167 [1] : vector<256x128xf32> to vector<256xf32>
    %broadcast_in_dim3A_169 = vector.shape_cast %reduce_sum3A_168 : vector<256xf32> to vector<256x1xf32>
    %sub3A_170 = arith.constant 1.000000e+00 : f32
    %sub3A_171 = vector.broadcast %sub3A_170 : f32 to vector<256x1xf32>
    %sub3A_172 = arith.subf %broadcast_in_dim3A_169, %sub3A_171 : vector<256x1xf32>
    %concatenate3A = tpu.concatenate %sub3A_60, %sub3A_76, %sub3A_92, %sub3A_108, %sub3A_124, %sub3A_140, %sub3A_156, %sub3A_172 in 0 : vector<256x1xf32>, vector<256x1xf32>, vector<256x1xf32>, vector<256x1xf32>, vector<256x1xf32>, vector<256x1xf32>, vector<256x1xf32>, vector<256x1xf32> -> vector<2048x1xf32>
    %lt3A_173 = arith.constant 1.600000e+02 : f32
    %lt3A_174 = vector.broadcast %lt3A_173 : f32 to vector<2048x1xf32>
    %lt3A_175 = arith.cmpf olt, %concatenate3A, %lt3A_174 : vector<2048x1xf32>
    %get3A_176 = arith.constant 0 : index
    %get3A_177 = arith.constant 0 : index
    %get3A_178 = vector.load %arg2[%get3A_176, %get3A_177] : memref<2048x1xf32, #tpu.memory_space<vmem>>, vector<2048x1xf32>
    %gt3A = arith.constant 0.000000e+00 : f32
    %gt3A_179 = vector.broadcast %gt3A : f32 to vector<2048x1xf32>
    %gt3A_180 = arith.cmpf ogt, %get3A_178, %gt3A_179 : vector<2048x1xf32>
    %and3A = arith.andi %lt3A_175, %gt3A_180 : vector<2048x1xi1>
    %convert_element_type3A_181 = arith.sitofp %get3A_34 : vector<2048x1xi32> to vector<2048x1xf32>
    %mul3A_182 = arith.constant 1.600000e+02 : f32
    %mul3A_183 = vector.broadcast %mul3A_182 : f32 to vector<2048x1xf32>
    %mul3A_184 = arith.mulf %convert_element_type3A_181, %mul3A_183 : vector<2048x1xf32>
    %add3A_185 = arith.addf %mul3A_184, %concatenate3A : vector<2048x1xf32>
    %jit3A_186 = arith.constant 2.560000e+03 : f32
    %broadcast_in_dim3A_187 = vector.broadcast %jit3A_186 : f32 to vector<2048x1xf32>
    %select_n3A_188 = arith.select %and3A, %add3A_185, %broadcast_in_dim3A_187 : vector<2048x1xi1>, vector<2048x1xf32>
    %convert_element_type3A_189 = arith.fptosi %select_n3A_188 : vector<2048x1xf32> to vector<2048x1xi32>
    %min3A = arith.constant 2559 : i32
    %min3A_190 = vector.broadcast %min3A : i32 to vector<2048x1xi32>
    %min3A_191 = arith.minsi %convert_element_type3A_189, %min3A_190 : vector<2048x1xi32>
    %swap3A_192 = arith.constant 0 : index
    %swap3A_193 = arith.constant 0 : index
    %swap3A_194 = vector.load %arg6[%swap3A_192, %swap3A_193] : memref<2048x1xi32, #tpu.memory_space<vmem>>, vector<2048x1xi32>
    tpu.vector_store %arg6[%swap3A_192, %swap3A_193], %min3A_191 {strides = array<i32>} : memref<2048x1xi32, #tpu.memory_space<vmem>>, vector<2048x1xi32>,
    %convert_element_type3A_195 = arith.extui %and3A : vector<2048x1xi1> to vector<2048x1xi32>
    %convert_element_type3A_196 = arith.sitofp %convert_element_type3A_195 : vector<2048x1xi32> to vector<2048x1xf32>
    %mul3A_197 = arith.mulf %broadcast_in_dim3A_41, %convert_element_type3A_196 : vector<2048x1xf32>
    %swap3A_198 = arith.constant 0 : index
    %swap3A_199 = arith.constant 0 : index
    %swap3A_200 = vector.load %arg7[%swap3A_198, %swap3A_199] : memref<2048x1xf32, #tpu.memory_space<vmem>>, vector<2048x1xf32>
    tpu.vector_store %arg7[%swap3A_198, %swap3A_199], %mul3A_197 {strides = array<i32>} : memref<2048x1xf32, #tpu.memory_space<vmem>>, vector<2048x1xf32>,
    %iota3A_201 = tpu.iota {dimensions = array<i32: 0>} : vector<2048x1xi32>
    %convert_element_type3A_202 = arith.sitofp %iota3A_201 : vector<2048x1xi32> to vector<2048x1xf32>
    %add3A_203 = arith.constant 1.000000e+00 : f32
    %add3A_204 = vector.broadcast %add3A_203 : f32 to vector<2048x1xf32>
    %add3A_205 = arith.addf %convert_element_type3A_202, %add3A_204 : vector<2048x1xf32>
    %iota3A_206 = tpu.iota {dimensions = array<i32: 1>} : vector<1x512xi32>
    %add3A_207 = arith.constant 0 : i32
    %add3A_208 = vector.broadcast %add3A_207 : i32 to vector<1x512xi32>
    %add3A_209 = arith.addi %iota3A_206, %add3A_208 : vector<1x512xi32>
    %ge3A_210 = arith.constant 2048 : i32
    %ge3A_211 = vector.broadcast %ge3A_210 : i32 to vector<1x512xi32>
    %ge3A_212 = arith.cmpi sge, %add3A_209, %ge3A_211 : vector<1x512xi32>
    %sub3A_213 = arith.constant 2048 : i32
    %sub3A_214 = vector.broadcast %sub3A_213 : i32 to vector<1x512xi32>
    %sub3A_215 = arith.subi %add3A_209, %sub3A_214 : vector<1x512xi32>
    %select_n3A_216 = arith.select %ge3A_212, %sub3A_215, %add3A_209 : vector<1x512xi1>, vector<1x512xi32>
    %convert_element_type3A_217 = arith.sitofp %select_n3A_216 : vector<1x512xi32> to vector<1x512xf32>
    %eq3A_218 = vector.broadcast %convert_element_type3A_189 : vector<2048x1xi32> to vector<2048x512xi32>
    %eq3A_219 = vector.broadcast %add3A_209 : vector<1x512xi32> to vector<2048x512xi32>
    %eq3A_220 = arith.cmpi eq, %eq3A_218, %eq3A_219 : vector<2048x512xi32>
    %jit3A_221 = arith.constant 0.000000e+00 : f32
    %broadcast_in_dim3A_222 = vector.shape_cast %add3A_205 : vector<2048x1xf32> to vector<2048x1xf32>
    %broadcast_in_dim3A_223 = vector.broadcast %broadcast_in_dim3A_222 : vector<2048x1xf32> to vector<2048x512xf32>
    %broadcast_in_dim3A_224 = vector.broadcast %jit3A_221 : f32 to vector<2048x512xf32>
    %select_n3A_225 = arith.select %eq3A_220, %broadcast_in_dim3A_223, %broadcast_in_dim3A_224 : vector<2048x512xi1>, vector<2048x512xf32>
    %reduce_sum3A_226 = arith.constant dense<0.000000e+00> : vector<512xf32>
    %reduce_sum3A_227 = vector.multi_reduction <add>, %select_n3A_225, %reduce_sum3A_226 [0] : vector<2048x512xf32> to vector<512xf32>
    %broadcast_in_dim3A_228 = vector.shape_cast %reduce_sum3A_227 : vector<512xf32> to vector<1x512xf32>
    %gt3A_229 = arith.constant 0.000000e+00 : f32
    %gt3A_230 = vector.broadcast %gt3A_229 : f32 to vector<1x512xf32>
    %gt3A_231 = arith.cmpf ogt, %broadcast_in_dim3A_228, %gt3A_230 : vector<1x512xf32>
    %sub3A_232 = arith.constant 1.000000e+00 : f32
    %sub3A_233 = vector.broadcast %sub3A_232 : f32 to vector<1x512xf32>
    %sub3A_234 = arith.subf %broadcast_in_dim3A_228, %sub3A_233 : vector<1x512xf32>
    %select_n3A_235 = arith.select %gt3A_231, %sub3A_234, %convert_element_type3A_217 : vector<1x512xi1>, vector<1x512xf32>
    %convert_element_type3A_236 = arith.fptosi %select_n3A_235 : vector<1x512xf32> to vector<1x512xi32>
    %swap3A_237 = arith.constant 0 : index
    %swap3A_238 = arith.constant 0 : index
    %swap3A_239 = vector.load %arg8[%swap3A_237, %swap3A_238] : memref<5x512xi32, #tpu.memory_space<vmem>>, vector<1x512xi32>
    tpu.vector_store %arg8[%swap3A_237, %swap3A_238], %convert_element_type3A_236 {strides = array<i32>} : memref<5x512xi32, #tpu.memory_space<vmem>>, vector<1x512xi32>,
    %iota3A_240 = tpu.iota {dimensions = array<i32: 1>} : vector<1x512xi32>
    %add3A_241 = arith.constant 512 : i32
    %add3A_242 = vector.broadcast %add3A_241 : i32 to vector<1x512xi32>
    %add3A_243 = arith.addi %iota3A_240, %add3A_242 : vector<1x512xi32>
    %ge3A_244 = arith.constant 2048 : i32
    %ge3A_245 = vector.broadcast %ge3A_244 : i32 to vector<1x512xi32>
    %ge3A_246 = arith.cmpi sge, %add3A_243, %ge3A_245 : vector<1x512xi32>
    %sub3A_247 = arith.constant 2048 : i32
    %sub3A_248 = vector.broadcast %sub3A_247 : i32 to vector<1x512xi32>
    %sub3A_249 = arith.subi %add3A_243, %sub3A_248 : vector<1x512xi32>
    %select_n3A_250 = arith.select %ge3A_246, %sub3A_249, %add3A_243 : vector<1x512xi1>, vector<1x512xi32>
    %convert_element_type3A_251 = arith.sitofp %select_n3A_250 : vector<1x512xi32> to vector<1x512xf32>
    %eq3A_252 = vector.broadcast %convert_element_type3A_189 : vector<2048x1xi32> to vector<2048x512xi32>
    %eq3A_253 = vector.broadcast %add3A_243 : vector<1x512xi32> to vector<2048x512xi32>
    %eq3A_254 = arith.cmpi eq, %eq3A_252, %eq3A_253 : vector<2048x512xi32>
    %jit3A_255 = arith.constant 0.000000e+00 : f32
    %broadcast_in_dim3A_256 = vector.shape_cast %add3A_205 : vector<2048x1xf32> to vector<2048x1xf32>
    %broadcast_in_dim3A_257 = vector.broadcast %broadcast_in_dim3A_256 : vector<2048x1xf32> to vector<2048x512xf32>
    %broadcast_in_dim3A_258 = vector.broadcast %jit3A_255 : f32 to vector<2048x512xf32>
    %select_n3A_259 = arith.select %eq3A_254, %broadcast_in_dim3A_257, %broadcast_in_dim3A_258 : vector<2048x512xi1>, vector<2048x512xf32>
    %reduce_sum3A_260 = arith.constant dense<0.000000e+00> : vector<512xf32>
    %reduce_sum3A_261 = vector.multi_reduction <add>, %select_n3A_259, %reduce_sum3A_260 [0] : vector<2048x512xf32> to vector<512xf32>
    %broadcast_in_dim3A_262 = vector.shape_cast %reduce_sum3A_261 : vector<512xf32> to vector<1x512xf32>
    %gt3A_263 = arith.constant 0.000000e+00 : f32
    %gt3A_264 = vector.broadcast %gt3A_263 : f32 to vector<1x512xf32>
    %gt3A_265 = arith.cmpf ogt, %broadcast_in_dim3A_262, %gt3A_264 : vector<1x512xf32>
    %sub3A_266 = arith.constant 1.000000e+00 : f32
    %sub3A_267 = vector.broadcast %sub3A_266 : f32 to vector<1x512xf32>
    %sub3A_268 = arith.subf %broadcast_in_dim3A_262, %sub3A_267 : vector<1x512xf32>
    %select_n3A_269 = arith.select %gt3A_265, %sub3A_268, %convert_element_type3A_251 : vector<1x512xi1>, vector<1x512xf32>
    %convert_element_type3A_270 = arith.fptosi %select_n3A_269 : vector<1x512xf32> to vector<1x512xi32>
    %swap3A_271 = arith.constant 1 : index
    %swap3A_272 = arith.constant 0 : index
    %swap3A_273 = vector.load %arg8[%swap3A_271, %swap3A_272] : memref<5x512xi32, #tpu.memory_space<vmem>>, vector<1x512xi32>
    tpu.vector_store %arg8[%swap3A_271, %swap3A_272], %convert_element_type3A_270 {strides = array<i32>} : memref<5x512xi32, #tpu.memory_space<vmem>>, vector<1x512xi32>,
    %iota3A_274 = tpu.iota {dimensions = array<i32: 1>} : vector<1x512xi32>
    %add3A_275 = arith.constant 1024 : i32
    %add3A_276 = vector.broadcast %add3A_275 : i32 to vector<1x512xi32>
    %add3A_277 = arith.addi %iota3A_274, %add3A_276 : vector<1x512xi32>
    %ge3A_278 = arith.constant 2048 : i32
    %ge3A_279 = vector.broadcast %ge3A_278 : i32 to vector<1x512xi32>
    %ge3A_280 = arith.cmpi sge, %add3A_277, %ge3A_279 : vector<1x512xi32>
    %sub3A_281 = arith.constant 2048 : i32
    %sub3A_282 = vector.broadcast %sub3A_281 : i32 to vector<1x512xi32>
    %sub3A_283 = arith.subi %add3A_277, %sub3A_282 : vector<1x512xi32>
    %select_n3A_284 = arith.select %ge3A_280, %sub3A_283, %add3A_277 : vector<1x512xi1>, vector<1x512xi32>
    %convert_element_type3A_285 = arith.sitofp %select_n3A_284 : vector<1x512xi32> to vector<1x512xf32>
    %eq3A_286 = vector.broadcast %convert_element_type3A_189 : vector<2048x1xi32> to vector<2048x512xi32>
    %eq3A_287 = vector.broadcast %add3A_277 : vector<1x512xi32> to vector<2048x512xi32>
    %eq3A_288 = arith.cmpi eq, %eq3A_286, %eq3A_287 : vector<2048x512xi32>
    %jit3A_289 = arith.constant 0.000000e+00 : f32
    %broadcast_in_dim3A_290 = vector.shape_cast %add3A_205 : vector<2048x1xf32> to vector<2048x1xf32>
    %broadcast_in_dim3A_291 = vector.broadcast %broadcast_in_dim3A_290 : vector<2048x1xf32> to vector<2048x512xf32>
    %broadcast_in_dim3A_292 = vector.broadcast %jit3A_289 : f32 to vector<2048x512xf32>
    %select_n3A_293 = arith.select %eq3A_288, %broadcast_in_dim3A_291, %broadcast_in_dim3A_292 : vector<2048x512xi1>, vector<2048x512xf32>
    %reduce_sum3A_294 = arith.constant dense<0.000000e+00> : vector<512xf32>
    %reduce_sum3A_295 = vector.multi_reduction <add>, %select_n3A_293, %reduce_sum3A_294 [0] : vector<2048x512xf32> to vector<512xf32>
    %broadcast_in_dim3A_296 = vector.shape_cast %reduce_sum3A_295 : vector<512xf32> to vector<1x512xf32>
    %gt3A_297 = arith.constant 0.000000e+00 : f32
    %gt3A_298 = vector.broadcast %gt3A_297 : f32 to vector<1x512xf32>
    %gt3A_299 = arith.cmpf ogt, %broadcast_in_dim3A_296, %gt3A_298 : vector<1x512xf32>
    %sub3A_300 = arith.constant 1.000000e+00 : f32
    %sub3A_301 = vector.broadcast %sub3A_300 : f32 to vector<1x512xf32>
    %sub3A_302 = arith.subf %broadcast_in_dim3A_296, %sub3A_301 : vector<1x512xf32>
    %select_n3A_303 = arith.select %gt3A_299, %sub3A_302, %convert_element_type3A_285 : vector<1x512xi1>, vector<1x512xf32>
    %convert_element_type3A_304 = arith.fptosi %select_n3A_303 : vector<1x512xf32> to vector<1x512xi32>
    %swap3A_305 = arith.constant 2 : index
    %swap3A_306 = arith.constant 0 : index
    %swap3A_307 = vector.load %arg8[%swap3A_305, %swap3A_306] : memref<5x512xi32, #tpu.memory_space<vmem>>, vector<1x512xi32>
    tpu.vector_store %arg8[%swap3A_305, %swap3A_306], %convert_element_type3A_304 {strides = array<i32>} : memref<5x512xi32, #tpu.memory_space<vmem>>, vector<1x512xi32>,
    %iota3A_308 = tpu.iota {dimensions = array<i32: 1>} : vector<1x512xi32>
    %add3A_309 = arith.constant 1536 : i32
    %add3A_310 = vector.broadcast %add3A_309 : i32 to vector<1x512xi32>
    %add3A_311 = arith.addi %iota3A_308, %add3A_310 : vector<1x512xi32>
    %ge3A_312 = arith.constant 2048 : i32
    %ge3A_313 = vector.broadcast %ge3A_312 : i32 to vector<1x512xi32>
    %ge3A_314 = arith.cmpi sge, %add3A_311, %ge3A_313 : vector<1x512xi32>
    %sub3A_315 = arith.constant 2048 : i32
    %sub3A_316 = vector.broadcast %sub3A_315 : i32 to vector<1x512xi32>
    %sub3A_317 = arith.subi %add3A_311, %sub3A_316 : vector<1x512xi32>
    %select_n3A_318 = arith.select %ge3A_314, %sub3A_317, %add3A_311 : vector<1x512xi1>, vector<1x512xi32>
    %convert_element_type3A_319 = arith.sitofp %select_n3A_318 : vector<1x512xi32> to vector<1x512xf32>
    %eq3A_320 = vector.broadcast %convert_element_type3A_189 : vector<2048x1xi32> to vector<2048x512xi32>
    %eq3A_321 = vector.broadcast %add3A_311 : vector<1x512xi32> to vector<2048x512xi32>
    %eq3A_322 = arith.cmpi eq, %eq3A_320, %eq3A_321 : vector<2048x512xi32>
    %jit3A_323 = arith.constant 0.000000e+00 : f32
    %broadcast_in_dim3A_324 = vector.shape_cast %add3A_205 : vector<2048x1xf32> to vector<2048x1xf32>
    %broadcast_in_dim3A_325 = vector.broadcast %broadcast_in_dim3A_324 : vector<2048x1xf32> to vector<2048x512xf32>
    %broadcast_in_dim3A_326 = vector.broadcast %jit3A_323 : f32 to vector<2048x512xf32>
    %select_n3A_327 = arith.select %eq3A_322, %broadcast_in_dim3A_325, %broadcast_in_dim3A_326 : vector<2048x512xi1>, vector<2048x512xf32>
    %reduce_sum3A_328 = arith.constant dense<0.000000e+00> : vector<512xf32>
    %reduce_sum3A_329 = vector.multi_reduction <add>, %select_n3A_327, %reduce_sum3A_328 [0] : vector<2048x512xf32> to vector<512xf32>
    %broadcast_in_dim3A_330 = vector.shape_cast %reduce_sum3A_329 : vector<512xf32> to vector<1x512xf32>
    %gt3A_331 = arith.constant 0.000000e+00 : f32
    %gt3A_332 = vector.broadcast %gt3A_331 : f32 to vector<1x512xf32>
    %gt3A_333 = arith.cmpf ogt, %broadcast_in_dim3A_330, %gt3A_332 : vector<1x512xf32>
    %sub3A_334 = arith.constant 1.000000e+00 : f32
    %sub3A_335 = vector.broadcast %sub3A_334 : f32 to vector<1x512xf32>
    %sub3A_336 = arith.subf %broadcast_in_dim3A_330, %sub3A_335 : vector<1x512xf32>
    %select_n3A_337 = arith.select %gt3A_333, %sub3A_336, %convert_element_type3A_319 : vector<1x512xi1>, vector<1x512xf32>
    %convert_element_type3A_338 = arith.fptosi %select_n3A_337 : vector<1x512xf32> to vector<1x512xi32>
    %swap3A_339 = arith.constant 3 : index
    %swap3A_340 = arith.constant 0 : index
    %swap3A_341 = vector.load %arg8[%swap3A_339, %swap3A_340] : memref<5x512xi32, #tpu.memory_space<vmem>>, vector<1x512xi32>
    tpu.vector_store %arg8[%swap3A_339, %swap3A_340], %convert_element_type3A_338 {strides = array<i32>} : memref<5x512xi32, #tpu.memory_space<vmem>>, vector<1x512xi32>,
    %iota3A_342 = tpu.iota {dimensions = array<i32: 1>} : vector<1x512xi32>
    %add3A_343 = arith.constant 2048 : i32
    %add3A_344 = vector.broadcast %add3A_343 : i32 to vector<1x512xi32>
    %add3A_345 = arith.addi %iota3A_342, %add3A_344 : vector<1x512xi32>
    %ge3A_346 = arith.constant 2048 : i32
    %ge3A_347 = vector.broadcast %ge3A_346 : i32 to vector<1x512xi32>
    %ge3A_348 = arith.cmpi sge, %add3A_345, %ge3A_347 : vector<1x512xi32>
    %sub3A_349 = arith.constant 2048 : i32
    %sub3A_350 = vector.broadcast %sub3A_349 : i32 to vector<1x512xi32>
    %sub3A_351 = arith.subi %add3A_345, %sub3A_350 : vector<1x512xi32>
    %select_n3A_352 = arith.select %ge3A_348, %sub3A_351, %add3A_345 : vector<1x512xi1>, vector<1x512xi32>
    %convert_element_type3A_353 = arith.sitofp %select_n3A_352 : vector<1x512xi32> to vector<1x512xf32>
    %eq3A_354 = vector.broadcast %convert_element_type3A_189 : vector<2048x1xi32> to vector<2048x512xi32>
    %eq3A_355 = vector.broadcast %add3A_345 : vector<1x512xi32> to vector<2048x512xi32>
    %eq3A_356 = arith.cmpi eq, %eq3A_354, %eq3A_355 : vector<2048x512xi32>
    %jit3A_357 = arith.constant 0.000000e+00 : f32
    %broadcast_in_dim3A_358 = vector.shape_cast %add3A_205 : vector<2048x1xf32> to vector<2048x1xf32>
    %broadcast_in_dim3A_359 = vector.broadcast %broadcast_in_dim3A_358 : vector<2048x1xf32> to vector<2048x512xf32>
    %broadcast_in_dim3A_360 = vector.broadcast %jit3A_357 : f32 to vector<2048x512xf32>
    %select_n3A_361 = arith.select %eq3A_356, %broadcast_in_dim3A_359, %broadcast_in_dim3A_360 : vector<2048x512xi1>, vector<2048x512xf32>
    %reduce_sum3A_362 = arith.constant dense<0.000000e+00> : vector<512xf32>
    %reduce_sum3A_363 = vector.multi_reduction <add>, %select_n3A_361, %reduce_sum3A_362 [0] : vector<2048x512xf32> to vector<512xf32>
    %broadcast_in_dim3A_364 = vector.shape_cast %reduce_sum3A_363 : vector<512xf32> to vector<1x512xf32>
    %gt3A_365 = arith.constant 0.000000e+00 : f32
    %gt3A_366 = vector.broadcast %gt3A_365 : f32 to vector<1x512xf32>
    %gt3A_367 = arith.cmpf ogt, %broadcast_in_dim3A_364, %gt3A_366 : vector<1x512xf32>
    %sub3A_368 = arith.constant 1.000000e+00 : f32
    %sub3A_369 = vector.broadcast %sub3A_368 : f32 to vector<1x512xf32>
    %sub3A_370 = arith.subf %broadcast_in_dim3A_364, %sub3A_369 : vector<1x512xf32>
    %select_n3A_371 = arith.select %gt3A_367, %sub3A_370, %convert_element_type3A_353 : vector<1x512xi1>, vector<1x512xf32>
    %convert_element_type3A_372 = arith.fptosi %select_n3A_371 : vector<1x512xf32> to vector<1x512xi32>
    %swap3A_373 = arith.constant 4 : index
    %swap3A_374 = arith.constant 0 : index
    %swap3A_375 = vector.load %arg8[%swap3A_373, %swap3A_374] : memref<5x512xi32, #tpu.memory_space<vmem>>, vector<1x512xi32>
    tpu.vector_store %arg8[%swap3A_373, %swap3A_374], %convert_element_type3A_372 {strides = array<i32>} : memref<5x512xi32, #tpu.memory_space<vmem>>, vector<1x512xi32>,
    return
  }
}

module attributes {stable_mosaic.version = 14 : i64} {
  func.func @_ffn_body(%arg0: i32, %arg1: i32, %arg2: memref<1x160x768xf32, #tpu.memory_space<vmem>>, %arg3: memref<1x768x1536xf32, #tpu.memory_space<vmem>>, %arg4: memref<1x1536x768xf32, #tpu.memory_space<vmem>>, %arg5: memref<1x160x768xf32, #tpu.memory_space<vmem>>) attributes {dimension_semantics = [#tpu.dimension_semantics<parallel>, #tpu.dimension_semantics<arbitrary>], iteration_bounds = array<i64: 16, 2>, scalar_prefetch = 0 : i64, scratch_operands = 0 : i64, tpu.core_type = #tpu.core_type<tc>, window_params = [{transform_indices = @transform_0, window_bounds = array<i64: 1, 160, 768>}, {transform_indices = @transform_1, window_bounds = array<i64: 1, 768, 1536>}, {transform_indices = @transform_2, window_bounds = array<i64: 1, 1536, 768>}, {transform_indices = @transform_3, window_bounds = array<i64: 1, 160, 768>}]} {
    %get3A = arith.constant 0 : index
    %get3A_0 = arith.constant 0 : index
    %get3A_1 = arith.constant 0 : index
    %get3A_2 = vector.load %arg2[%get3A, %get3A_0, %get3A_1] : memref<1x160x768xf32, #tpu.memory_space<vmem>>, vector<1x160x768xf32>
    %get3A_3 = vector.shape_cast %get3A_2 : vector<1x160x768xf32> to vector<160x768xf32>
    %convert_element_type3A = arith.truncf %get3A_3 : vector<160x768xf32> to vector<160x768xbf16>
    %get3A_4 = arith.constant 0 : index
    %get3A_5 = arith.constant 0 : index
    %get3A_6 = arith.constant 0 : index
    %get3A_7 = vector.load %arg3[%get3A_4, %get3A_5, %get3A_6] : memref<1x768x1536xf32, #tpu.memory_space<vmem>>, vector<1x768x1536xf32>
    %get3A_8 = vector.shape_cast %get3A_7 : vector<1x768x1536xf32> to vector<768x1536xf32>
    %convert_element_type3A_9 = arith.truncf %get3A_8 : vector<768x1536xf32> to vector<768x1536xbf16>
    %dot_general3A = arith.constant dense<0.000000e+00> : vector<160x1536xf32>
    %dot_general3A_10 = tpu.matmul %convert_element_type3A, %convert_element_type3A_9, %dot_general3A {dimension_numbers = #tpu.dot_dimension_numbers<[1], [0], [0], [1], [0, 0, 1, 1], [], []>, transpose_lhs_hint = false} : vector<160x768xbf16>, vector<768x1536xbf16>, vector<160x1536xf32> -> vector<160x1536xf32>
    %max3A = arith.constant 0.000000e+00 : f32
    %max3A_11 = vector.broadcast %max3A : f32 to vector<160x1536xf32>
    %max3A_12 = arith.maximumf %dot_general3A_10, %max3A_11 : vector<160x1536xf32>
    %convert_element_type3A_13 = arith.truncf %max3A_12 : vector<160x1536xf32> to vector<160x1536xbf16>
    %get3A_14 = arith.constant 0 : index
    %get3A_15 = arith.constant 0 : index
    %get3A_16 = arith.constant 0 : index
    %get3A_17 = vector.load %arg4[%get3A_14, %get3A_15, %get3A_16] : memref<1x1536x768xf32, #tpu.memory_space<vmem>>, vector<1x1536x768xf32>
    %get3A_18 = vector.shape_cast %get3A_17 : vector<1x1536x768xf32> to vector<1536x768xf32>
    %convert_element_type3A_19 = arith.truncf %get3A_18 : vector<1536x768xf32> to vector<1536x768xbf16>
    %dot_general3A_20 = arith.constant dense<0.000000e+00> : vector<160x768xf32>
    %dot_general3A_21 = tpu.matmul %convert_element_type3A_13, %convert_element_type3A_19, %dot_general3A_20 {dimension_numbers = #tpu.dot_dimension_numbers<[1], [0], [0], [1], [0, 0, 1, 1], [], []>, transpose_lhs_hint = false} : vector<160x1536xbf16>, vector<1536x768xbf16>, vector<160x768xf32> -> vector<160x768xf32>
    %eq3A = arith.constant 0 : i32
    %eq3A_22 = arith.cmpi eq, %arg1, %eq3A : i32
    %convert_element_type3A_23 = arith.extui %eq3A_22 : i1 to i32
    %cond3A = arith.constant 0 : i32
    %cond3A_24 = arith.cmpi ne, %convert_element_type3A_23, %cond3A : i32
    scf.if %cond3A_24 {
      %swap3A = arith.constant 0 : index
      %swap3A_29 = arith.constant 0 : index
      %swap3A_30 = arith.constant 0 : index
      %swap3A_31 = vector.load %arg5[%swap3A, %swap3A_29, %swap3A_30] : memref<1x160x768xf32, #tpu.memory_space<vmem>>, vector<1x160x768xf32>
      %swap3A_32 = vector.shape_cast %swap3A_31 : vector<1x160x768xf32> to vector<160x768xf32>
      %swap3A_33 = vector.shape_cast %dot_general3A_21 : vector<160x768xf32> to vector<1x160x768xf32>
      tpu.vector_store %arg5[%swap3A, %swap3A_29, %swap3A_30], %swap3A_33 {strides = array<i32>} : memref<1x160x768xf32, #tpu.memory_space<vmem>>, vector<1x160x768xf32>,
    } else {
    }
    %gt3A = arith.constant 0 : i32
    %gt3A_25 = arith.cmpi sgt, %arg1, %gt3A : i32
    %convert_element_type3A_26 = arith.extui %gt3A_25 : i1 to i32
    %cond3A_27 = arith.constant 0 : i32
    %cond3A_28 = arith.cmpi ne, %convert_element_type3A_26, %cond3A_27 : i32
    scf.if %cond3A_28 {
      %get3A_29 = arith.constant 0 : index
      %get3A_30 = arith.constant 0 : index
      %get3A_31 = arith.constant 0 : index
      %get3A_32 = vector.load %arg5[%get3A_29, %get3A_30, %get3A_31] : memref<1x160x768xf32, #tpu.memory_space<vmem>>, vector<1x160x768xf32>
      %get3A_33 = vector.shape_cast %get3A_32 : vector<1x160x768xf32> to vector<160x768xf32>
      %add3A = arith.addf %get3A_33, %dot_general3A_21 : vector<160x768xf32>
      %swap3A = arith.constant 0 : index
      %swap3A_34 = arith.constant 0 : index
      %swap3A_35 = arith.constant 0 : index
      %swap3A_36 = vector.load %arg5[%swap3A, %swap3A_34, %swap3A_35] : memref<1x160x768xf32, #tpu.memory_space<vmem>>, vector<1x160x768xf32>
      %swap3A_37 = vector.shape_cast %swap3A_36 : vector<1x160x768xf32> to vector<160x768xf32>
      %swap3A_38 = vector.shape_cast %add3A : vector<160x768xf32> to vector<1x160x768xf32>
      tpu.vector_store %arg5[%swap3A, %swap3A_34, %swap3A_35], %swap3A_38 {strides = array<i32>} : memref<1x160x768xf32, #tpu.memory_space<vmem>>, vector<1x160x768xf32>,
    } else {
    }
    return
  }
  func.func @transform_0(%arg0: i32, %arg1: i32) -> (i32, i32, i32) {
    %c0_i32 = arith.constant 0 : i32
    %c0_i32_0 = arith.constant 0 : i32
    %c0_i32_1 = arith.constant 0 : i32
    return %arg0, %c0_i32, %c0_i32_0 : i32, i32, i32
  }
  func.func @transform_1(%arg0: i32, %arg1: i32) -> (i32, i32, i32) {
    %c0_i32 = arith.constant 0 : i32
    %c0_i32_0 = arith.constant 0 : i32
    return %arg0, %c0_i32, %arg1 : i32, i32, i32
  }
  func.func @transform_2(%arg0: i32, %arg1: i32) -> (i32, i32, i32) {
    %c0_i32 = arith.constant 0 : i32
    %c0_i32_0 = arith.constant 0 : i32
    return %arg0, %arg1, %c0_i32 : i32, i32, i32
  }
  func.func @transform_3(%arg0: i32, %arg1: i32) -> (i32, i32, i32) {
    %c0_i32 = arith.constant 0 : i32
    %c0_i32_0 = arith.constant 0 : i32
    %c0_i32_1 = arith.constant 0 : i32
    return %arg0, %c0_i32, %c0_i32_0 : i32, i32, i32
  }
}

module attributes {stable_mosaic.version = 14 : i64} {
  func.func @_combine_body(%arg0: i32, %arg1: memref<256x768xf32, #tpu.memory_space<vmem>>, %arg2: memref<256x768xf32, #tpu.memory_space<vmem>>, %arg3: memref<256x1xf32, #tpu.memory_space<vmem>>, %arg4: memref<256x768xf32, #tpu.memory_space<vmem>>) attributes {dimension_semantics = [#tpu.dimension_semantics<arbitrary>], iteration_bounds = array<i64: 8>, scalar_prefetch = 0 : i64, scratch_operands = 0 : i64, tpu.core_type = #tpu.core_type<tc>, window_params = [{transform_indices = @transform_0, window_bounds = array<i64: 256, 768>}, {transform_indices = @transform_1, window_bounds = array<i64: 256, 768>}, {transform_indices = @transform_2, window_bounds = array<i64: 256, 1>}, {transform_indices = @transform_3, window_bounds = array<i64: 256, 768>}]} {
    %get3A = arith.constant 0 : index
    %get3A_0 = arith.constant 0 : index
    %get3A_1 = vector.load %arg1[%get3A, %get3A_0] : memref<256x768xf32, #tpu.memory_space<vmem>>, vector<256x768xf32>
    %get3A_2 = arith.constant 0 : index
    %get3A_3 = arith.constant 0 : index
    %get3A_4 = vector.load %arg2[%get3A_2, %get3A_3] : memref<256x768xf32, #tpu.memory_space<vmem>>, vector<256x768xf32>
    %get3A_5 = arith.constant 0 : index
    %get3A_6 = arith.constant 0 : index
    %get3A_7 = vector.load %arg3[%get3A_5, %get3A_6] : memref<256x1xf32, #tpu.memory_space<vmem>>, vector<256x1xf32>
    %mul3A = vector.broadcast %get3A_7 : vector<256x1xf32> to vector<256x768xf32>
    %mul3A_8 = arith.mulf %get3A_4, %mul3A : vector<256x768xf32>
    %add3A = arith.addf %get3A_1, %mul3A_8 : vector<256x768xf32>
    %swap3A = arith.constant 0 : index
    %swap3A_9 = arith.constant 0 : index
    %swap3A_10 = vector.load %arg4[%swap3A, %swap3A_9] : memref<256x768xf32, #tpu.memory_space<vmem>>, vector<256x768xf32>
    tpu.vector_store %arg4[%swap3A, %swap3A_9], %add3A {strides = array<i32>} : memref<256x768xf32, #tpu.memory_space<vmem>>, vector<256x768xf32>,
    return
  }
  func.func @transform_0(%arg0: i32) -> (i32, i32) {
    %c0_i32 = arith.constant 0 : i32
    %c0_i32_0 = arith.constant 0 : i32
    return %arg0, %c0_i32 : i32, i32
  }
  func.func @transform_1(%arg0: i32) -> (i32, i32) {
    %c0_i32 = arith.constant 0 : i32
    %c0_i32_0 = arith.constant 0 : i32
    return %arg0, %c0_i32 : i32, i32
  }
  func.func @transform_2(%arg0: i32) -> (i32, i32) {
    %c0_i32 = arith.constant 0 : i32
    %c0_i32_0 = arith.constant 0 : i32
    return %arg0, %c0_i32 : i32, i32
  }
  func.func @transform_3(%arg0: i32) -> (i32, i32) {
    %c0_i32 = arith.constant 0 : i32
    %c0_i32_0 = arith.constant 0 : i32
    return %arg0, %c0_i32 : i32, i32
  }
}

</mosaic_0001>

<sc_bundles>
// kernel: kernel.11.cloned.1.call-start
scs
__scs_entry_jumppad:
0x0: {  	(pc) =	sbr.rel $0x88, $3  }
0x1: {  	(tag) =	ssettag $0x0;
	lr =	simm.s32 $0x1  }
0x2: {  	[smem:$0x3F9A] =	sst lr;
	_ =	strace $0xD0000000  }
0x3: {  	_ = 	snop  }
0x4: {  	_ = 	snop  }
0x5: {  	_ = 	snop  }
0x6: {  	_ = 	snop  }
0x7: {  	_ = 	snop  }
__scs_overlays_trampoline_lowered:
0x8: {  	[smem:$0x3FA9] =	sst s0  }
0x9: {  	[smem:$0x3FAA] =	sst s1  }
0xa: {  	[smem:$0x3FAB] =	sst s2  }
0xb: {  	[smem:$0x3FAC] =	sst s3  }
0xc: {  	[smem:$0x3FAD] =	sst s4  }
0xd: {  	[smem:$0x3FAE] =	sst s5  }
0xe: {  	[smem:$0x3FAF] =	sst s6  }
0xf: {  	[smem:$0x3FB0] =	sst s7  }
0x10: {  	[smem:$0x3FB1] =	sst s8  }
0x11: {  	[smem:$0x3FB2] =	sst s9;
	s0 =	simm.s32 @!p0 $0x0  }
0x12: {  	s1 =	sld [smem:$0x3F98];
	s0 =	simm.s32 @p0 $0x1  }
0x13: {  	[smem:$0x3FB3] =	sst s0;
	s0 =	simm.s32 @!p1 $0x0  }
0x14: {  	s2 =	sld [smem:$0x3F97];
	s0 =	simm.s32 @p1 $0x1  }
0x15: {  	[smem:$0x3FB4] =	sst s0;
	s0 =	simm.s32 @!p2 $0x0  }
0x16: {  	s3 =	sld [smem:$0x3FDB];
	s0 =	simm.s32 @p2 $0x1  }
0x17: {  	s4 =	simm.s32 $0x1BF5;
	[smem:$0x3FB6] =	sst s0  }
0x18: {  	s0 =	sld [smem:$0x3F99];
	_ =	swait.ge [sflag:s4], $0x0  }
0x19: {  	s7 =	sld [smem:$0x3F9A]  }
0x1a: {  	s8 =	sadd.s32 $0xFFFFE003, lr  }
0x1b: {  	s9 =	sadd.s32 $0xFFFFFEF7, lr;
	s5 =	simm.s32 $0xFFFFFFFF;
	p2 =	slt.u32 s8, $0xFFFFF086  }
0x1c: {  	p1 =	slt.u32 s9, $0xF7A;
	s5 =	simm.s32 @!p2 $0x0  }
0x1d: {  	s5 =	simm.s32 @p1 $0x1;
	p0 =	seq.s32 s7, s2  }
0x1e: {  	s7 =	smul.u32 @!p0 $0xF7A, s2;
	p2 =	seq.s32 @!p0 s5, $0x0  }
0x1f: {  	s9 =	smul.u32 $0xF7A, s1;
	s8 =	simm.s32 @!p0 $0x1BF5;
	p2 =	por !p2, p0  }
0x20: {  	[sflag:s8] =	ssyncset.s32 @!p0 $0xFFFFF086;
	s6 =	sadd.s32 @!p0 s3, s7;
	s7 =	simm.s32 @!p0 $0x108  }
0x21: {  	s3 =	sadd.s32 s3, s9;
	s6 =	sadd.s32 @!p0 $0x88, s6;
	s7 =	simm.s32 @p2 $0x1082  }
0x22: {  	[simem:s7], [sflag:s8] =	dma.local @!p0 [hbm:s6], $0xF7A  }
0x23: {  	s9 =	sor.u32 $0xD0000000, s2;
	s6 =	simm.s32 $0x108;
	_ =	swait.ge @!p0 [sflag:s8], $0x0  }
0x24: {  	s3 =	sadd.s32 $0x88, s3;
	s6 =	simm.s32 @!p1 $0x1082;
	[sflag:s4] =	ssyncset.s32 $0xFFFFF086  }
0x25: {  	[simem:s6], [sflag:s4] =	dma.local [hbm:s3], $0xF7A  }
0x26: {  	[smem:$0x3F9A] =	sst s1;
	(tag) =	ssettag s2;
	_ =	strace s9  }
0x27: {  	s1 =	sld [smem:$0x3FAA]  }
0x28: {  	s2 =	sld [smem:$0x3FAB]  }
0x29: {  	s4 =	sld [smem:$0x3FAD]  }
0x2a: {  	p0 =	seq.s32 s5, $0x0;
	s5 =	sld [smem:$0x3FAE]  }
0x2b: {  	s6 =	sld [smem:$0x3FAF]  }
0x2c: {  	s7 =	sld [smem:$0x3FB0]  }
0x2d: {  	s3 =	simm.s32 $0x108;
	s8 =	sld [smem:$0x3FB1]  }
0x2e: {  	s3 =	simm.s32 @!p0 $0x1082;
	s9 =	sld [smem:$0x3FB2]  }
0x2f: {  	lr =	sadd.s32 s0, s3;
	s0 =	sld [smem:$0x3FA9]  }
0x30: {  	s3 =	sld [smem:$0x3FAC]  }
0x31: {  	[smem:$0x3FB5] =	sst s10  }
0x32: {  	s10 =	sld [smem:$0x3FB3];
	_ =	sdelay $0x3  }
0x33: {  	p0 =	seq.s32 s10, $0x1;
	s10 =	sld [smem:$0x3FB5];
	_ =	sdelay $0x3  }
0x34: {  	[smem:$0x3FB5] =	sst s10  }
0x35: {  	s10 =	sld [smem:$0x3FB4];
	_ =	sdelay $0x3  }
0x36: {  	p1 =	seq.s32 s10, $0x1;
	s10 =	sld [smem:$0x3FB5];
	_ =	sdelay $0x3  }
0x37: {  	[smem:$0x3FB5] =	sst s10  }
0x38: {  	s10 =	sld [smem:$0x3FB6]  }
0x39: {  	_ = 	snop;
	(pc) =	sbr.ind lr, $3  }
0x3a: {  	_ = 	snop  }
0x3b: {  	_ = 	snop  }
0x3c: {  	p2 =	seq.s32 s10, $0x1;
	s10 =	sld [smem:$0x3FB5]  }
0x3d: {  	_ =	shalt  }
0x3e: {  	_ =	shalt  }
0x3f: {  	_ =	shalt  }
0x40: {  	_ =	shalt  }
0x41: {  	_ =	shalt  }
0x42: {  	_ =	shalt  }
0x43: {  	_ =	shalt  }
0x44: {  	_ =	shalt  }
0x45: {  	_ =	shalt  }
0x46: {  	_ =	shalt  }
0x47: {  	_ =	shalt  }
0x48: {  	_ =	shalt  }
0x49: {  	_ =	shalt  }
0x4a: {  	_ =	shalt  }
0x4b: {  	_ =	shalt  }
0x4c: {  	_ =	shalt  }
0x4d: {  	_ =	shalt  }
0x4e: {  	_ =	shalt  }
0x4f: {  	_ =	shalt  }
0x50: {  	_ =	shalt  }
0x51: {  	_ =	shalt  }
0x52: {  	_ =	shalt  }
0x53: {  	_ =	shalt  }
0x54: {  	_ =	shalt  }
0x55: {  	_ =	shalt  }
0x56: {  	_ =	shalt  }
0x57: {  	_ =	shalt  }
0x58: {  	_ =	shalt  }
0x59: {  	_ =	shalt  }
0x5a: {  	_ =	shalt  }
0x5b: {  	_ =	shalt  }
0x5c: {  	_ =	shalt  }
0x5d: {  	_ =	shalt  }
0x5e: {  	_ =	shalt  }
0x5f: {  	_ =	shalt  }
0x60: {  	_ =	shalt  }
0x61: {  	_ =	shalt  }
0x62: {  	_ =	shalt  }
0x63: {  	_ =	shalt  }
0x64: {  	_ =	shalt  }
0x65: {  	_ =	shalt  }
0x66: {  	_ =	shalt  }
0x67: {  	_ =	shalt  }
0x68: {  	_ =	shalt  }
0x69: {  	_ =	shalt  }
0x6a: {  	_ =	shalt  }
0x6b: {  	_ =	shalt  }
0x6c: {  	_ =	shalt  }
0x6d: {  	_ =	shalt  }
0x6e: {  	_ =	shalt  }
0x6f: {  	_ =	shalt  }
0x70: {  	_ =	shalt  }
0x71: {  	_ =	shalt  }
0x72: {  	_ =	shalt  }
0x73: {  	_ =	shalt  }
0x74: {  	_ =	shalt  }
0x75: {  	_ =	shalt  }
0x76: {  	_ =	shalt  }
0x77: {  	_ =	shalt  }
0x78: {  	_ =	shalt  }
0x79: {  	_ =	shalt  }
0x7a: {  	_ =	shalt  }
0x7b: {  	_ =	shalt  }
0x7c: {  	_ =	shalt  }
0x7d: {  	_ =	shalt  }
0x7e: {  	_ =	shalt  }
0x7f: {  	_ =	shalt  }
0x80: {  	_ =	shalt  }
0x81: {  	_ =	shalt  }
0x82: {  	_ =	shalt  }
0x83: {  	_ =	shalt  }
0x84: {  	_ =	shalt  }
0x85: {  	_ =	shalt  }
0x86: {  	_ =	shalt  }
0x87: {  	_ =	shalt  }
.Lfunc_end0:
.L_simem_size_0:
called_computation.1_lowered:
.L_overlay_start_0:
0x88: {  	s2 =	sld [smem:$0x3FD9]  }
0x89: {  	s3 =	sld [smem:$0x3FFE];
	_ =	sdelay $0x1  }
0x8a: {  	s1 =	srdreg.scid  }
0x8b: {  	s0 =	sand.u32 $0x1, s1  }
0x8c: {  	s17 =	sshll.u32 s0, $0xA;
	s2 =	sadd.s32 s3, s2  }
0x8d: {  	s2 =	sadd.s32 s2, s17  }
0x8e: {  	[smem:$0x3FC1] =	sst s2  }
0x8f: {  	_ = 	snop  }
0x90: {  	s2 =	sld [smem:$0x3FD0];
	(tm) =	ssettm $0x1  }
0x91: {  	s18 =	sld [smem:$0x3FFB];
	_ =	sdelay $0x3  }
0x92: {  	_ =	strace s18  }
0x93: {  	s3 =	sld [smem:$0x3FFC];
	_ =	sdelay $0x3  }
0x94: {  	_ =	strace s3  }
0x95: {  	s3 =	sld [smem:$0x3FFD];
	_ =	sdelay $0x3  }
0x96: {  	_ =	strace s3  }
0x97: {  	_ =	strace $0x8FFFFFFF  }
0x98: {  	s19 =	sld [smem:$0x3FDB];
	_ =	sdelay $0x1  }
0x99: {  	s4 =	simm.s32 $_scs_section_size  }
0x9a: {  	s5 =	simm.s32 $_size__tile_overlayer_lowered;
	s6 =	simm.s32 $_tile_overlayer_lowered  }
0x9b: {  	s22 =	simm.s32 $0x1BFF;
	s21 =	sshll.u32 s6, $0x1;
	s3 =	sadd.s32 s4, s19  }
0x9c: {  	s7 =	simm.s32 $0x0;
	s20 =	sshll.u32 s5, $0x1;
	s5 =	sadd.s32 s21, s3  }
0x9d: {  	[timem:s7], [sflag:s22] =	dma.local [hbm:s5], s20  }
0x9e: {  	_ =	swait.ge [sflag:s22], s20  }
0x9f: {  	s4 =	ssub.s32 $0x0, s20;
	[sflag:s22] =	ssyncset.done $0x0  }
0xa0: {  	[sflag:s22] =	ssyncadd.s32 s4;
	_ =	sdelay $0x1  }
0xa1: {  	s23 =	simm.s32 $0x1B8B  }
0xa2: {  	_ =	swait.ge [sflag:s23], $0x1  }
0xa3: {  	[sflag:s23] =	ssyncset.done $0x0  }
0xa4: {  	s25 =	simm.s32 $0x1B8E;
	s24 =	sld [smem:$0x3FFE];
	[sflag:s23] =	ssyncadd.s32 $0xFFFFFFFF  }
0xa5: {  	s26 =	simm.s32 $execute0_lowered;
	[smem:$0x3FD2] =	sst s25  }
0xa6: {  	s5 =	sshll.u32 s26, $0x1;
	_ =	strace $0x80000049;
	[dreg:$0x1] =	wrdreg $0xFFFFFFFF  }
0xa7: {  	s28 =	simm.s32 $_size_execute0_lowered;
	s3 =	sadd.s32 s3, s5;
	[dreg:$0x0] =	wrdreg $0x0  }
0xa8: {  	s5 =	sshll.u32 s28, $0x1;
	[dreg:$0x2] =	wrdreg s3  }
0xa9: {  	[dreg:$0x3] =	wrdreg s5  }
0xaa: {  	[dreg:$0x4] =	wrdreg $0xC0  }
0xab: {  	_ =	task [dreg:s7], $0x5FFFF  }
0xac: {  	[dreg:$0x1] =	wrdreg $0xFFFFFFFF  }
0xad: {  	[dreg:$0x0] =	wrdreg $0x60  }
0xae: {  	[dreg:$0x2] =	wrdreg s2  }
0xaf: {  	[dreg:$0x3] =	wrdreg s24  }
0xb0: {  	[dreg:$0x4] =	wrdreg $0x9  }
0xb1: {  	_ =	task.clear_ibuf [dreg:s7], $0x5FFFF;
	_ =	strace $0x90000049  }
0xb2: {  	s29 =	simm.s32 $0x9;
	_ =	strace $0x8000004B  }
0xb3: {  	_ =	swait.ge [sflag:s29], $0x1  }
0xb4: {  	[sflag:s29] =	ssyncadd.s32 $0xFFFFFFFF  }
0xb5: {  	_ =	strace $0x9000004B  }
0xb6: {  	_ =	sfence  }
0xb7: {  	s30 =	sld [smem:$0x0];
	_ =	sdelay $0x2  }
0xb8: {  	s31 =	sshll.u32 s1, $0xD;
	s1 =	sshrl.u32 s1, $0x2  }
0xb9: {  	s3 =	sand.u32 $0x4000, s31;
	s1 =	sadd.s32 s1, s30  }
0xba: {  	s0 =	sor.u32 s3, s0;
	s1 =	sshll.u32 s1, $0x11  }
0xbb: {  	s0 =	sor.u32 s1, s0  }
0xbc: {  	s0 =	sadd.s32 $0x8F2B, s0  }
0xbd: {  	[sflag:s0] =	ssyncadd.remote.s32 $0x1  }
0xbe: {  	_ =	sfence.sel $0xFFFF  }
0xbf: {  	[dreg:$0x0] =	wrdreg $0xFFFFFFFF;
	(pc) =	sbr.abs _section_cstart, $3  }
0xc0: {  	[dreg:$0x1] =	wrdreg $0xFFFFFFFF  }
0xc1: {  	_ =	task.clear_ibuf [dreg:s7], $0x2FFFF;
	_ =	strace $0x9FFFFFFF  }
0xc2: {  	(tm) =	ssettm $0x7FFFFFFF  }
0xc3: {  	_ =	shalt  }
tec
execute0_lowered:
.L_overlay_start_1:
0x0: {  	(tag) =	ssettag $0x1  }
0x1: {  	s1 =	srdreg.scid;
	s2 =	rddreg [dreg:$0x0]  }
0x2: {  	s0 =	stileid.u32;
	s5 =	rddreg [dreg:$0x1]  }
0x3: {  	s21 =	simm.s32 $0x880;
	s22 =	simm.s32 $0x1080;
	s23 =	simm.s32 $0x1880  }
0x4: {  	s7 =	simm.s32 $0x2080;
	s24 =	simm.s32 $0x2880;
	s25 =	simm.s32 $0x3080  }
0x5: {  	s8 =	simm.s32 $0x80;
	s26 =	simm.s32 $0x3880;
	s10 =	simm.s32 $0x4880  }
0x6: {  	s11 =	simm.s32 $0x5080;
	s12 =	simm.s32 $0x5880;
	s13 =	simm.s32 $0x6080  }
0x7: {  	s14 =	simm.s32 $0x6880;
	s1 =	sand.u32 $0x1, s1;
	s3 =	sshll.u32 s0, $0x1  }
0x8: {  	s15 =	simm.s32 $0x7080;
	s4 =	sor.u32 s1, s3;
	s3 =	simm.s32 $0x0  }
0x9: {  	s16 =	simm.s32 $0x7880;
	s17 =	simm.s32 $0x8080;
	[smem:$0x7FF] =	sst s3  }
0xa: {  	s18 =	simm.s32 $0x8880;
	_ =	strace $0x8000004A;
	[dreg:$0x5] =	wrdreg s21  }
0xb: {  	s28 =	simm.s32 $0xD080;
	s29 =	simm.s32 $0xD880;
	[dreg:$0x6] =	wrdreg s22  }
0xc: {  	s30 =	simm.s32 $0xE080;
	s31 =	simm.s32 $0xE880;
	[dreg:$0x7] =	wrdreg s23  }
0xd: {  	s1 =	ssub.s32 $0x2, s1;
	s6 =	smul.u32 $0x1E00, s4;
	[dreg:$0x8] =	wrdreg s7  }
0xe: {  	s4 =	smul.u32 $0xA, s4;
	s20 =	sshrl.u32 s1, $0x1;
	[dreg:$0x9] =	wrdreg s24  }
0xf: {  	s1 =	ssub.s32 s1, s20;
	s7 =	simm.s32 $0x2;
	[dreg:$0xa] =	wrdreg s25  }
0x10: {  	[dreg:$0xb] =	wrdreg s26;
	s20 =	simm.s32 $0x9880;
	s21 =	simm.s32 $0xA080  }
0x11: {  	s22 =	simm.s32 $0xA880;
	s23 =	simm.s32 $0xB080;
	s24 =	simm.s32 $0xB880  }
0x12: {  	s25 =	simm.s32 $0xC080;
	s26 =	simm.s32 $0xC880;
	s4 =	sadd.s32 s5, s4  }
0x13: {  	v2 =	vlaneseq.u32;
	s6 =	sadd.s32 s6, s5;
	s5 =	sadd.s32 $0x200, s2;
	[dreg:$0x3] =	wrdreg s4  }
0x14: {  	vm0 =	vmmov $0xffff;
	v1 =	vshrl.u32 v2, $0x3;
	s19 =	sadd.s32 $0x200, s6;
	s4 =	sadd.s32 $0x100, s2;
	s6 =	smax.u32 s1, $0x1  }
0x15: {  	v0 =	vand.u32 $0x7, v2;
	v2 =	vor.u32 $0x8, v2;
	v1 =	vmul.u32 $0x8, v1;
	s1 =	simm.s32 $0x1;
	[dreg:$0x4] =	wrdreg s19;
	s19 =	simm.s32 $0x9080  }
.LBB2_1:
0x16: {  	s0 =	rddreg [dreg:$0x3]  }
0x17: {  	[tilespmem:s3], [sflag:$0x2] =	stream.linear.gather [hbm4b:s0+s3], $0x50, $0x38;
	[tilespmem:$0xF080] =	vst v63  }
0x18: {  	_ =	swait.ge [sflag:s7], $0x50  }
0x19: {  	[sflag:s7] =	ssyncset.done $0x0  }
0x1a: {  	[sflag:s7] =	ssyncadd.s32 $0xFFFFFFB0  }
0x1b: {  	v3 =	vld [tilespmem:$0x0];
	_ =	sdelay $0x4  }
0x1c: {  	v4 =	vshrl.u32 v3, $0x3  }
0x1d: {  	v4 =	vmul.u32 $0x30, v4  }
0x1e: {  	v3 =	vand.u32 $0x7, v3  }
0x1f: {  	v3 =	vor.u32 v3, v4  }
0x20: {  	v4 =	vperm.xlane v3, v0;
	_ =	sdelay $0x1  }
0x21: {  	v4 =	vadd.s32 v1, v4;
	_ =	sdelay $0x3  }
0x22: {  	v3 =	vperm.xlane v3, v2  }
0x23: {  	[tilespmem:s8], [sflag:$0x1] =	stream.indirect_vreg.gather [hbm4b:s2+s3], $0x80, v4, vm0, $0xb8;
	[tilespmem:$0xF080] =	vst v63  }
0x24: {  	s0 =	rddreg [dreg:$0x5];
	v3 =	vadd.s32 v1, v3  }
0x25: {  	[tilespmem:s0], [sflag:$0x1] =	stream.indirect_vreg.gather [hbm4b:s4+s3], $0x80, v4, vm0, $0xb8;
	[tilespmem:$0xF080] =	vst v63  }
0x26: {  	s9 =	rddreg [dreg:$0x6]  }
0x27: {  	[tilespmem:s9], [sflag:$0x1] =	stream.indirect_vreg.gather [hbm4b:s5+s3], $0x80, v4, vm0, $0xb8;
	[tilespmem:$0xF080] =	vst v63  }
0x28: {  	s0 =	rddreg [dreg:$0x7]  }
0x29: {  	[tilespmem:s0], [sflag:$0x1] =	stream.indirect_vreg.gather [hbm4b:s2+s3], $0x80, v3, vm0, $0xb8;
	[tilespmem:$0xF080] =	vst v63  }
0x2a: {  	s9 =	rddreg [dreg:$0x8]  }
0x2b: {  	[tilespmem:s9], [sflag:$0x1] =	stream.indirect_vreg.gather [hbm4b:s4+s3], $0x80, v3, vm0, $0xb8;
	[tilespmem:$0xF080] =	vst v63  }
0x2c: {  	s0 =	rddreg [dreg:$0x9]  }
0x2d: {  	[tilespmem:s0], [sflag:$0x1] =	stream.indirect_vreg.gather [hbm4b:s5+s3], $0x80, v3, vm0, $0xb8;
	[tilespmem:$0xF080] =	vst v63  }
0x2e: {  	v3 =	vld [tilespmem:$0x10];
	_ =	sdelay $0x4  }
0x2f: {  	v60 =	vshrl.u32 v3, $0x3  }
0x30: {  	v4 =	vmul.u32 $0x30, v60  }
0x31: {  	v3 =	vand.u32 $0x7, v3  }
0x32: {  	v3 =	vor.u32 v3, v4  }
0x33: {  	v4 =	vperm.xlane v3, v0;
	_ =	sdelay $0x1  }
0x34: {  	v4 =	vadd.s32 v1, v4;
	_ =	sdelay $0x3  }
0x35: {  	s0 =	rddreg [dreg:$0xa];
	v3 =	vperm.xlane v3, v2  }
0x36: {  	[tilespmem:s0], [sflag:$0x1] =	stream.indirect_vreg.gather [hbm4b:s2+s3], $0x80, v4, vm0, $0xb8;
	[tilespmem:$0xF080] =	vst v63  }
0x37: {  	s9 =	rddreg [dreg:$0xb];
	v3 =	vadd.s32 v1, v3  }
0x38: {  	[tilespmem:s9], [sflag:$0x1] =	stream.indirect_vreg.gather [hbm4b:s4+s3], $0x80, v4, vm0, $0xb8;
	[tilespmem:$0xF080] =	vst v63  }
0x39: {  	s9 =	simm.s32 $0x4080  }
0x3a: {  	[tilespmem:s9], [sflag:$0x1] =	stream.indirect_vreg.gather [hbm4b:s5+s3], $0x80, v4, vm0, $0xb8;
	[tilespmem:$0xF080] =	vst v63  }
0x3b: {  	_ = 	snop  }
0x3c: {  	[tilespmem:s10], [sflag:$0x1] =	stream.indirect_vreg.gather [hbm4b:s2+s3], $0x80, v3, vm0, $0xb8;
	[tilespmem:$0xF080] =	vst v63  }
0x3d: {  	_ = 	snop  }
0x3e: {  	[tilespmem:s11], [sflag:$0x1] =	stream.indirect_vreg.gather [hbm4b:s4+s3], $0x80, v3, vm0, $0xb8;
	[tilespmem:$0xF080] =	vst v63  }
0x3f: {  	_ = 	snop  }
0x40: {  	[tilespmem:s12], [sflag:$0x1] =	stream.indirect_vreg.gather [hbm4b:s5+s3], $0x80, v3, vm0, $0xb8;
	[tilespmem:$0xF080] =	vst v63  }
0x41: {  	v3 =	vld [tilespmem:$0x20];
	_ =	sdelay $0x4  }
0x42: {  	v61 =	vshrl.u32 v3, $0x3  }
0x43: {  	v4 =	vmul.u32 $0x30, v61  }
0x44: {  	v3 =	vand.u32 $0x7, v3  }
0x45: {  	v3 =	vor.u32 v3, v4  }
0x46: {  	v4 =	vperm.xlane v3, v0;
	_ =	sdelay $0x1  }
0x47: {  	v4 =	vadd.s32 v1, v4;
	_ =	sdelay $0x3  }
0x48: {  	v3 =	vperm.xlane v3, v2  }
0x49: {  	[tilespmem:s13], [sflag:$0x1] =	stream.indirect_vreg.gather [hbm4b:s2+s3], $0x80, v4, vm0, $0xb8;
	[tilespmem:$0xF080] =	vst v63  }
0x4a: {  	v3 =	vadd.s32 v1, v3  }
0x4b: {  	[tilespmem:s14], [sflag:$0x1] =	stream.indirect_vreg.gather [hbm4b:s4+s3], $0x80, v4, vm0, $0xb8;
	[tilespmem:$0xF080] =	vst v63  }
0x4c: {  	_ = 	snop  }
0x4d: {  	[tilespmem:s15], [sflag:$0x1] =	stream.indirect_vreg.gather [hbm4b:s5+s3], $0x80, v4, vm0, $0xb8;
	[tilespmem:$0xF080] =	vst v63  }
0x4e: {  	_ = 	snop  }
0x4f: {  	[tilespmem:s16], [sflag:$0x1] =	stream.indirect_vreg.gather [hbm4b:s2+s3], $0x80, v3, vm0, $0xb8;
	[tilespmem:$0xF080] =	vst v63  }
0x50: {  	_ = 	snop  }
0x51: {  	[tilespmem:s17], [sflag:$0x1] =	stream.indirect_vreg.gather [hbm4b:s4+s3], $0x80, v3, vm0, $0xb8;
	[tilespmem:$0xF080] =	vst v63  }
0x52: {  	_ = 	snop  }
0x53: {  	[tilespmem:s18], [sflag:$0x1] =	stream.indirect_vreg.gather [hbm4b:s5+s3], $0x80, v3, vm0, $0xb8;
	[tilespmem:$0xF080] =	vst v63  }
0x54: {  	v3 =	vld [tilespmem:$0x30];
	_ =	sdelay $0x4  }
0x55: {  	v62 =	vshrl.u32 v3, $0x3  }
0x56: {  	v4 =	vmul.u32 $0x30, v62  }
0x57: {  	v3 =	vand.u32 $0x7, v3  }
0x58: {  	v3 =	vor.u32 v3, v4  }
0x59: {  	v4 =	vperm.xlane v3, v0;
	_ =	sdelay $0x1  }
0x5a: {  	v4 =	vadd.s32 v1, v4;
	_ =	sdelay $0x3  }
0x5b: {  	v3 =	vperm.xlane v3, v2  }
0x5c: {  	[tilespmem:s19], [sflag:$0x1] =	stream.indirect_vreg.gather [hbm4b:s2+s3], $0x80, v4, vm0, $0xb8;
	[tilespmem:$0xF080] =	vst v63  }
0x5d: {  	v3 =	vadd.s32 v1, v3  }
0x5e: {  	[tilespmem:s20], [sflag:$0x1] =	stream.indirect_vreg.gather [hbm4b:s4+s3], $0x80, v4, vm0, $0xb8;
	[tilespmem:$0xF080] =	vst v63  }
0x5f: {  	_ = 	snop  }
0x60: {  	[tilespmem:s21], [sflag:$0x1] =	stream.indirect_vreg.gather [hbm4b:s5+s3], $0x80, v4, vm0, $0xb8;
	[tilespmem:$0xF080] =	vst v63  }
0x61: {  	_ = 	snop  }
0x62: {  	[tilespmem:s22], [sflag:$0x1] =	stream.indirect_vreg.gather [hbm4b:s2+s3], $0x80, v3, vm0, $0xb8;
	[tilespmem:$0xF080] =	vst v63  }
0x63: {  	_ = 	snop  }
0x64: {  	[tilespmem:s23], [sflag:$0x1] =	stream.indirect_vreg.gather [hbm4b:s4+s3], $0x80, v3, vm0, $0xb8;
	[tilespmem:$0xF080] =	vst v63  }
0x65: {  	_ = 	snop  }
0x66: {  	[tilespmem:s24], [sflag:$0x1] =	stream.indirect_vreg.gather [hbm4b:s5+s3], $0x80, v3, vm0, $0xb8;
	[tilespmem:$0xF080] =	vst v63  }
0x67: {  	v3 =	vld [tilespmem:$0x40];
	_ =	sdelay $0x4  }
0x68: {  	v63 =	vshrl.u32 v3, $0x3  }
0x69: {  	v4 =	vmul.u32 $0x30, v63  }
0x6a: {  	v3 =	vand.u32 $0x7, v3  }
0x6b: {  	v3 =	vor.u32 v3, v4  }
0x6c: {  	v4 =	vperm.xlane v3, v0;
	_ =	sdelay $0x1  }
0x6d: {  	v4 =	vadd.s32 v1, v4;
	_ =	sdelay $0x3  }
0x6e: {  	v3 =	vperm.xlane v3, v2  }
0x6f: {  	[tilespmem:s25], [sflag:$0x1] =	stream.indirect_vreg.gather [hbm4b:s2+s3], $0x80, v4, vm0, $0xb8;
	[tilespmem:$0xF080] =	vst v63  }
0x70: {  	v3 =	vadd.s32 v1, v3  }
0x71: {  	[tilespmem:s26], [sflag:$0x1] =	stream.indirect_vreg.gather [hbm4b:s4+s3], $0x80, v4, vm0, $0xb8;
	[tilespmem:$0xF080] =	vst v63  }
0x72: {  	_ = 	snop  }
0x73: {  	[tilespmem:s28], [sflag:$0x1] =	stream.indirect_vreg.gather [hbm4b:s5+s3], $0x80, v4, vm0, $0xb8;
	[tilespmem:$0xF080] =	vst v63  }
0x74: {  	_ = 	snop  }
0x75: {  	[tilespmem:s29], [sflag:$0x1] =	stream.indirect_vreg.gather [hbm4b:s2+s3], $0x80, v3, vm0, $0xb8;
	[tilespmem:$0xF080] =	vst v63  }
0x76: {  	_ = 	snop  }
0x77: {  	[tilespmem:s30], [sflag:$0x1] =	stream.indirect_vreg.gather [hbm4b:s4+s3], $0x80, v3, vm0, $0xb8;
	[tilespmem:$0xF080] =	vst v63  }
0x78: {  	_ = 	snop  }
0x79: {  	[tilespmem:s31], [sflag:$0x1] =	stream.indirect_vreg.gather [hbm4b:s5+s3], $0x80, v3, vm0, $0xb8;
	[tilespmem:$0xF080] =	vst v63  }
0x7a: {  	_ =	swait.ge [sflag:s1], $0xF000  }
0x7b: {  	p0 =	sne.s32 s6, $0x1;
	[sflag:s1] =	ssyncset.done $0x0  }
.Ltmp0:
0x7c: {  	s9 =	rddreg [dreg:$0x4];
	[sflag:s1] =	ssyncadd.s32 $0xFFFF1000;
	(pc) =	sbr.rel @p0 .LBB2_1-.Ltmp0, $4  }
0x7d: {  	[hbm4b:s9+s3] =	stream.linear.scatter [tilespmem:s8], [sflag:$0x2], $0xF000, $0x38;
	[tilespmem:$0xF080] =	vst v63  }
0x7e: {  	_ =	swait.ge [sflag:s7], $0xF000  }
0x7f: {  	[sflag:s7] =	ssyncset.done $0x0  }
0x80: {  	s6 =	sadd.s32 $0xFFFFFFFF, s6;
	[sflag:s7] =	ssyncadd.s32 $0xFFFF1000  }
0x81: {  	_ =	sfence.sel $0x180000  }
0x82: {  	[bflag:$0x0] =	sbarrier.arrive $0xFFFF  }
0x83: {  	_ =	strace $0x9000004A  }
0x84: {  	s0 =	stileid.u32;
	[bflag:$0x2] =	sbarrier.arrive $0xFFFF  }
0x85: {  	p0 =	sne.s32 s0, $0x0;
	s0 =	rddreg [dreg:$0x2]  }
0x86: {  	s0 =	sadd.s32 @!p0 $0x100000, s0  }
0x87: {  	[sflag:s0] =	ssyncadd.tile.s32 @!p0 $0x1;
	_ =	shalt  }
.Lfunc_end2:
_tile_overlayer_lowered:
.L_overlay_start_2:
0x88: {  	(tag) =	ssettag $0x2  }
0x89: {  	s0 =	rddreg [dreg:$0x0];
	s2 =	stileid.u32  }
0x8a: {  	s1 =	rddreg [dreg:$0x1];
	p0 =	sne.s32 s2, $0x0  }
0x8b: {  	s3 =	rddreg [dreg:$0x2];
	[bflag:$0x3] =	sbarrier.arrive $0xFFFF;
	s2 =	simm.s32 @!p0 $0x1C02  }
0x8c: {  	[timem:s3], [sflag:s2] =	dma.local @!p0 [hbm:s0], s1  }
0x8d: {  	s0 =	simm.s32 @!p0 $0x2  }
0x8e: {  	_ =	swait.ge @!p0 [sflag:s0], s1  }
0x8f: {  	s1 =	ssub.s32 @!p0 $0x0, s1;
	[sflag:s0] =	ssyncset.done @!p0 $0x0  }
0x90: {  	[sflag:s0] =	ssyncadd.s32 @!p0 s1  }
0x91: {  	[bflag:$0x3] =	sbarrier.arrive $0xFFFF  }
0x92: {  	_ =	shalt  }

// kernel: kernel.14.cloned.1.call-start
scs
__scs_entry_jumppad:
0x0: {  	(pc) =	sbr.rel $0x88, $3  }
0x1: {  	(tag) =	ssettag $0x0;
	lr =	simm.s32 $0x1  }
0x2: {  	[smem:$0x3F9A] =	sst lr;
	_ =	strace $0xD0000000  }
0x3: {  	_ = 	snop  }
0x4: {  	_ = 	snop  }
0x5: {  	_ = 	snop  }
0x6: {  	_ = 	snop  }
0x7: {  	_ = 	snop  }
__scs_overlays_trampoline_lowered:
0x8: {  	[smem:$0x3FA9] =	sst s0  }
0x9: {  	[smem:$0x3FAA] =	sst s1  }
0xa: {  	[smem:$0x3FAB] =	sst s2  }
0xb: {  	[smem:$0x3FAC] =	sst s3  }
0xc: {  	[smem:$0x3FAD] =	sst s4  }
0xd: {  	[smem:$0x3FAE] =	sst s5  }
0xe: {  	[smem:$0x3FAF] =	sst s6  }
0xf: {  	[smem:$0x3FB0] =	sst s7  }
0x10: {  	[smem:$0x3FB1] =	sst s8  }
0x11: {  	[smem:$0x3FB2] =	sst s9;
	s0 =	simm.s32 @!p0 $0x0  }
0x12: {  	s1 =	sld [smem:$0x3F98];
	s0 =	simm.s32 @p0 $0x1  }
0x13: {  	[smem:$0x3FB3] =	sst s0;
	s0 =	simm.s32 @!p1 $0x0  }
0x14: {  	s2 =	sld [smem:$0x3F97];
	s0 =	simm.s32 @p1 $0x1  }
0x15: {  	[smem:$0x3FB4] =	sst s0;
	s0 =	simm.s32 @!p2 $0x0  }
0x16: {  	s3 =	sld [smem:$0x3FDB];
	s0 =	simm.s32 @p2 $0x1  }
0x17: {  	s4 =	simm.s32 $0x1BF5;
	[smem:$0x3FB6] =	sst s0  }
0x18: {  	s0 =	sld [smem:$0x3F99];
	_ =	swait.ge [sflag:s4], $0x0  }
0x19: {  	s7 =	sld [smem:$0x3F9A]  }
0x1a: {  	s8 =	sadd.s32 $0xFFFFE003, lr  }
0x1b: {  	s9 =	sadd.s32 $0xFFFFFEF7, lr;
	s5 =	simm.s32 $0xFFFFFFFF;
	p2 =	slt.u32 s8, $0xFFFFF086  }
0x1c: {  	p1 =	slt.u32 s9, $0xF7A;
	s5 =	simm.s32 @!p2 $0x0  }
0x1d: {  	s5 =	simm.s32 @p1 $0x1;
	p0 =	seq.s32 s7, s2  }
0x1e: {  	s7 =	smul.u32 @!p0 $0xF7A, s2;
	p2 =	seq.s32 @!p0 s5, $0x0  }
0x1f: {  	s9 =	smul.u32 $0xF7A, s1;
	s8 =	simm.s32 @!p0 $0x1BF5;
	p2 =	por !p2, p0  }
0x20: {  	[sflag:s8] =	ssyncset.s32 @!p0 $0xFFFFF086;
	s6 =	sadd.s32 @!p0 s3, s7;
	s7 =	simm.s32 @!p0 $0x108  }
0x21: {  	s3 =	sadd.s32 s3, s9;
	s6 =	sadd.s32 @!p0 $0x88, s6;
	s7 =	simm.s32 @p2 $0x1082  }
0x22: {  	[simem:s7], [sflag:s8] =	dma.local @!p0 [hbm:s6], $0xF7A  }
0x23: {  	s9 =	sor.u32 $0xD0000000, s2;
	s6 =	simm.s32 $0x108;
	_ =	swait.ge @!p0 [sflag:s8], $0x0  }
0x24: {  	s3 =	sadd.s32 $0x88, s3;
	s6 =	simm.s32 @!p1 $0x1082;
	[sflag:s4] =	ssyncset.s32 $0xFFFFF086  }
0x25: {  	[simem:s6], [sflag:s4] =	dma.local [hbm:s3], $0xF7A  }
0x26: {  	[smem:$0x3F9A] =	sst s1;
	(tag) =	ssettag s2;
	_ =	strace s9  }
0x27: {  	s1 =	sld [smem:$0x3FAA]  }
0x28: {  	s2 =	sld [smem:$0x3FAB]  }
0x29: {  	s4 =	sld [smem:$0x3FAD]  }
0x2a: {  	p0 =	seq.s32 s5, $0x0;
	s5 =	sld [smem:$0x3FAE]  }
0x2b: {  	s6 =	sld [smem:$0x3FAF]  }
0x2c: {  	s7 =	sld [smem:$0x3FB0]  }
0x2d: {  	s3 =	simm.s32 $0x108;
	s8 =	sld [smem:$0x3FB1]  }
0x2e: {  	s3 =	simm.s32 @!p0 $0x1082;
	s9 =	sld [smem:$0x3FB2]  }
0x2f: {  	lr =	sadd.s32 s0, s3;
	s0 =	sld [smem:$0x3FA9]  }
0x30: {  	s3 =	sld [smem:$0x3FAC]  }
0x31: {  	[smem:$0x3FB5] =	sst s10  }
0x32: {  	s10 =	sld [smem:$0x3FB3];
	_ =	sdelay $0x3  }
0x33: {  	p0 =	seq.s32 s10, $0x1;
	s10 =	sld [smem:$0x3FB5];
	_ =	sdelay $0x3  }
0x34: {  	[smem:$0x3FB5] =	sst s10  }
0x35: {  	s10 =	sld [smem:$0x3FB4];
	_ =	sdelay $0x3  }
0x36: {  	p1 =	seq.s32 s10, $0x1;
	s10 =	sld [smem:$0x3FB5];
	_ =	sdelay $0x3  }
0x37: {  	[smem:$0x3FB5] =	sst s10  }
0x38: {  	s10 =	sld [smem:$0x3FB6]  }
0x39: {  	_ = 	snop;
	(pc) =	sbr.ind lr, $3  }
0x3a: {  	_ = 	snop  }
0x3b: {  	_ = 	snop  }
0x3c: {  	p2 =	seq.s32 s10, $0x1;
	s10 =	sld [smem:$0x3FB5]  }
0x3d: {  	_ =	shalt  }
0x3e: {  	_ =	shalt  }
0x3f: {  	_ =	shalt  }
0x40: {  	_ =	shalt  }
0x41: {  	_ =	shalt  }
0x42: {  	_ =	shalt  }
0x43: {  	_ =	shalt  }
0x44: {  	_ =	shalt  }
0x45: {  	_ =	shalt  }
0x46: {  	_ =	shalt  }
0x47: {  	_ =	shalt  }
0x48: {  	_ =	shalt  }
0x49: {  	_ =	shalt  }
0x4a: {  	_ =	shalt  }
0x4b: {  	_ =	shalt  }
0x4c: {  	_ =	shalt  }
0x4d: {  	_ =	shalt  }
0x4e: {  	_ =	shalt  }
0x4f: {  	_ =	shalt  }
0x50: {  	_ =	shalt  }
0x51: {  	_ =	shalt  }
0x52: {  	_ =	shalt  }
0x53: {  	_ =	shalt  }
0x54: {  	_ =	shalt  }
0x55: {  	_ =	shalt  }
0x56: {  	_ =	shalt  }
0x57: {  	_ =	shalt  }
0x58: {  	_ =	shalt  }
0x59: {  	_ =	shalt  }
0x5a: {  	_ =	shalt  }
0x5b: {  	_ =	shalt  }
0x5c: {  	_ =	shalt  }
0x5d: {  	_ =	shalt  }
0x5e: {  	_ =	shalt  }
0x5f: {  	_ =	shalt  }
0x60: {  	_ =	shalt  }
0x61: {  	_ =	shalt  }
0x62: {  	_ =	shalt  }
0x63: {  	_ =	shalt  }
0x64: {  	_ =	shalt  }
0x65: {  	_ =	shalt  }
0x66: {  	_ =	shalt  }
0x67: {  	_ =	shalt  }
0x68: {  	_ =	shalt  }
0x69: {  	_ =	shalt  }
0x6a: {  	_ =	shalt  }
0x6b: {  	_ =	shalt  }
0x6c: {  	_ =	shalt  }
0x6d: {  	_ =	shalt  }
0x6e: {  	_ =	shalt  }
0x6f: {  	_ =	shalt  }
0x70: {  	_ =	shalt  }
0x71: {  	_ =	shalt  }
0x72: {  	_ =	shalt  }
0x73: {  	_ =	shalt  }
0x74: {  	_ =	shalt  }
0x75: {  	_ =	shalt  }
0x76: {  	_ =	shalt  }
0x77: {  	_ =	shalt  }
0x78: {  	_ =	shalt  }
0x79: {  	_ =	shalt  }
0x7a: {  	_ =	shalt  }
0x7b: {  	_ =	shalt  }
0x7c: {  	_ =	shalt  }
0x7d: {  	_ =	shalt  }
0x7e: {  	_ =	shalt  }
0x7f: {  	_ =	shalt  }
0x80: {  	_ =	shalt  }
0x81: {  	_ =	shalt  }
0x82: {  	_ =	shalt  }
0x83: {  	_ =	shalt  }
0x84: {  	_ =	shalt  }
0x85: {  	_ =	shalt  }
0x86: {  	_ =	shalt  }
0x87: {  	_ =	shalt  }
.Lfunc_end0:
.L_simem_size_0:
called_computation.2_lowered:
.L_overlay_start_0:
0x88: {  	s2 =	sld [smem:$0x3FD9]  }
0x89: {  	s3 =	sld [smem:$0x3FFE];
	_ =	sdelay $0x1  }
0x8a: {  	s1 =	srdreg.scid  }
0x8b: {  	s0 =	sand.u32 $0x1, s1  }
0x8c: {  	s17 =	sshll.u32 s0, $0xA;
	s2 =	sadd.s32 s3, s2  }
0x8d: {  	s2 =	sadd.s32 s2, s17  }
0x8e: {  	[smem:$0x3FC1] =	sst s2  }
0x8f: {  	_ = 	snop  }
0x90: {  	s2 =	sld [smem:$0x3FD0];
	(tm) =	ssettm $0x1  }
0x91: {  	s18 =	sld [smem:$0x3FFB];
	_ =	sdelay $0x3  }
0x92: {  	_ =	strace s18  }
0x93: {  	s3 =	sld [smem:$0x3FFC];
	_ =	sdelay $0x3  }
0x94: {  	_ =	strace s3  }
0x95: {  	s3 =	sld [smem:$0x3FFD];
	_ =	sdelay $0x3  }
0x96: {  	_ =	strace s3  }
0x97: {  	_ =	strace $0x8FFFFFFF  }
0x98: {  	s19 =	sld [smem:$0x3FDB];
	_ =	sdelay $0x1  }
0x99: {  	s4 =	simm.s32 $_scs_section_size  }
0x9a: {  	s5 =	simm.s32 $_size__tile_overlayer_lowered;
	s6 =	simm.s32 $_tile_overlayer_lowered  }
0x9b: {  	s22 =	simm.s32 $0x1BFF;
	s21 =	sshll.u32 s6, $0x1;
	s3 =	sadd.s32 s4, s19  }
0x9c: {  	s7 =	simm.s32 $0x0;
	s20 =	sshll.u32 s5, $0x1;
	s5 =	sadd.s32 s21, s3  }
0x9d: {  	[timem:s7], [sflag:s22] =	dma.local [hbm:s5], s20  }
0x9e: {  	_ =	swait.ge [sflag:s22], s20  }
0x9f: {  	s4 =	ssub.s32 $0x0, s20;
	[sflag:s22] =	ssyncset.done $0x0  }
0xa0: {  	[sflag:s22] =	ssyncadd.s32 s4;
	_ =	sdelay $0x1  }
0xa1: {  	s23 =	simm.s32 $0x1B8B  }
0xa2: {  	_ =	swait.ge [sflag:s23], $0x1  }
0xa3: {  	[sflag:s23] =	ssyncset.done $0x0  }
0xa4: {  	s25 =	simm.s32 $0x1B8E;
	s24 =	sld [smem:$0x3FFE];
	[sflag:s23] =	ssyncadd.s32 $0xFFFFFFFF  }
0xa5: {  	s26 =	simm.s32 $execute0_lowered;
	[smem:$0x3FD2] =	sst s25  }
0xa6: {  	s5 =	sshll.u32 s26, $0x1;
	_ =	strace $0x8000004C;
	[dreg:$0x1] =	wrdreg $0xFFFFFFFF  }
0xa7: {  	s28 =	simm.s32 $_size_execute0_lowered;
	s3 =	sadd.s32 s3, s5;
	[dreg:$0x0] =	wrdreg $0x0  }
0xa8: {  	s5 =	sshll.u32 s28, $0x1;
	[dreg:$0x2] =	wrdreg s3  }
0xa9: {  	[dreg:$0x3] =	wrdreg s5  }
0xaa: {  	[dreg:$0x4] =	wrdreg $0xC0  }
0xab: {  	_ =	task [dreg:s7], $0x5FFFF  }
0xac: {  	[dreg:$0x1] =	wrdreg $0xFFFFFFFF  }
0xad: {  	[dreg:$0x0] =	wrdreg $0x60  }
0xae: {  	[dreg:$0x2] =	wrdreg s24  }
0xaf: {  	[dreg:$0x3] =	wrdreg s2  }
0xb0: {  	[dreg:$0x4] =	wrdreg $0x9  }
0xb1: {  	_ =	task.clear_ibuf [dreg:s7], $0x5FFFF;
	_ =	strace $0x9000004C  }
0xb2: {  	s29 =	simm.s32 $0x9;
	_ =	strace $0x8000004E  }
0xb3: {  	_ =	swait.ge [sflag:s29], $0x1  }
0xb4: {  	[sflag:s29] =	ssyncadd.s32 $0xFFFFFFFF  }
0xb5: {  	_ =	strace $0x9000004E  }
0xb6: {  	_ =	sfence  }
0xb7: {  	s30 =	sld [smem:$0x0];
	_ =	sdelay $0x2  }
0xb8: {  	s31 =	sshll.u32 s1, $0xD;
	s1 =	sshrl.u32 s1, $0x2  }
0xb9: {  	s3 =	sand.u32 $0x4000, s31;
	s1 =	sadd.s32 s1, s30  }
0xba: {  	s0 =	sor.u32 s3, s0;
	s1 =	sshll.u32 s1, $0x11  }
0xbb: {  	s0 =	sor.u32 s1, s0  }
0xbc: {  	s0 =	sadd.s32 $0x8F2B, s0  }
0xbd: {  	[sflag:s0] =	ssyncadd.remote.s32 $0x1  }
0xbe: {  	_ =	sfence.sel $0xFFFF  }
0xbf: {  	[dreg:$0x0] =	wrdreg $0xFFFFFFFF;
	(pc) =	sbr.abs _section_cstart, $3  }
0xc0: {  	[dreg:$0x1] =	wrdreg $0xFFFFFFFF  }
0xc1: {  	_ =	task.clear_ibuf [dreg:s7], $0x2FFFF;
	_ =	strace $0x9FFFFFFF  }
0xc2: {  	(tm) =	ssettm $0x7FFFFFFF  }
0xc3: {  	_ =	shalt  }
tec
execute0_lowered:
.L_overlay_start_1:
0x0: {  	(tag) =	ssettag $0x1  }
0x1: {  	s2 =	rddreg [dreg:$0x0]  }
0x2: {  	s0 =	rddreg [dreg:$0x1]  }
0x3: {  	s3 =	srdreg.scid;
	s1 =	stileid.u32;
	s8 =	simm.s32 $0x80  }
0x4: {  	s26 =	simm.s32 $0x880;
	s9 =	simm.s32 $0x1080;
	s10 =	simm.s32 $0x1880  }
0x5: {  	s11 =	simm.s32 $0x2080;
	s12 =	simm.s32 $0x2880;
	s13 =	simm.s32 $0x3080  }
0x6: {  	s14 =	simm.s32 $0x3880;
	s15 =	simm.s32 $0x4080;
	s16 =	simm.s32 $0x4880  }
0x7: {  	s17 =	simm.s32 $0x5080;
	s18 =	simm.s32 $0x5880;
	s19 =	simm.s32 $0x6080  }
0x8: {  	s20 =	simm.s32 $0x6880;
	s21 =	simm.s32 $0x7080;
	s22 =	simm.s32 $0x7880  }
0x9: {  	s23 =	simm.s32 $0x8080;
	s24 =	simm.s32 $0x8880;
	s28 =	simm.s32 $0xA080  }
0xa: {  	s29 =	simm.s32 $0xA880;
	s30 =	simm.s32 $0xB080;
	s31 =	simm.s32 $0xB880  }
0xb: {  	s4 =	sand.u32 $0x1, s3;
	s3 =	simm.s32 $0x0;
	s5 =	sshll.u32 s1, $0x4  }
0xc: {  	s6 =	sshll.u32 s4, $0x3;
	[smem:$0x7FF] =	sst s3;
	s4 =	ssub.s32 $0x2, s4  }
0xd: {  	s5 =	sor.u32 s6, s5;
	s7 =	sshrl.u32 s4, $0x1;
	_ =	strace $0x8000004D  }
0xe: {  	[dreg:$0x5] =	wrdreg s26;
	s26 =	simm.s32 $0x9880;
	s6 =	sadd.s32 s5, s2  }
0xf: {  	s5 =	smul.u32 $0x300, s5;
	s7 =	ssub.s32 s4, s7;
	s4 =	sadd.s32 $0x100, s2  }
0x10: {  	v2 =	vlaneseq.u32;
	s25 =	sadd.s32 $0x3C200, s6;
	s6 =	smax.u32 s7, $0x1;
	s7 =	simm.s32 $0x2  }
0x11: {  	vm0 =	vmmov $0xffff;
	v1 =	vshrl.u32 v2, $0x3;
	[dreg:$0x3] =	wrdreg s25;
	s0 =	sadd.s32 s0, s5;
	s5 =	sadd.s32 $0x200, s2  }
0x12: {  	v0 =	vand.u32 $0x7, v2;
	v2 =	vor.u32 $0x8, v2;
	v1 =	vmul.u32 $0x8, v1;
	s25 =	simm.s32 $0x9080;
	[dreg:$0x4] =	wrdreg s0;
	s0 =	simm.s32 $0x1  }
.LBB2_1:
0x13: {  	s1 =	rddreg [dreg:$0x3]  }
0x14: {  	[tilespmem:s3], [sflag:$0x2] =	stream.linear.gather [hbm4b:s1+s3], $0x40, $0x38;
	[tilespmem:$0xC080] =	vst v63  }
0x15: {  	_ =	swait.ge [sflag:s7], $0x40  }
0x16: {  	[sflag:s7] =	ssyncset.done $0x0  }
0x17: {  	[sflag:s7] =	ssyncadd.s32 $0xFFFFFFC0  }
0x18: {  	v3 =	vld [tilespmem:$0x0];
	_ =	sdelay $0x4  }
0x19: {  	v4 =	vshrl.u32 v3, $0x3  }
0x1a: {  	v4 =	vmul.u32 $0x30, v4  }
0x1b: {  	v3 =	vand.u32 $0x7, v3  }
0x1c: {  	v3 =	vor.u32 v3, v4  }
0x1d: {  	v4 =	vperm.xlane v3, v0;
	_ =	sdelay $0x1  }
0x1e: {  	v4 =	vadd.s32 v1, v4;
	_ =	sdelay $0x3  }
0x1f: {  	v3 =	vperm.xlane v3, v2  }
0x20: {  	[tilespmem:s8], [sflag:$0x1] =	stream.indirect_vreg.gather [hbm4b:s2+s3], $0x80, v4, vm0, $0xb8;
	[tilespmem:$0xC080] =	vst v63  }
0x21: {  	s1 =	rddreg [dreg:$0x5];
	v3 =	vadd.s32 v1, v3  }
0x22: {  	[tilespmem:s1], [sflag:$0x1] =	stream.indirect_vreg.gather [hbm4b:s4+s3], $0x80, v4, vm0, $0xb8;
	[tilespmem:$0xC080] =	vst v63  }
0x23: {  	_ = 	snop  }
0x24: {  	[tilespmem:s9], [sflag:$0x1] =	stream.indirect_vreg.gather [hbm4b:s5+s3], $0x80, v4, vm0, $0xb8;
	[tilespmem:$0xC080] =	vst v63  }
0x25: {  	_ = 	snop  }
0x26: {  	[tilespmem:s10], [sflag:$0x1] =	stream.indirect_vreg.gather [hbm4b:s2+s3], $0x80, v3, vm0, $0xb8;
	[tilespmem:$0xC080] =	vst v63  }
0x27: {  	_ = 	snop  }
0x28: {  	[tilespmem:s11], [sflag:$0x1] =	stream.indirect_vreg.gather [hbm4b:s4+s3], $0x80, v3, vm0, $0xb8;
	[tilespmem:$0xC080] =	vst v63  }
0x29: {  	_ = 	snop  }
0x2a: {  	[tilespmem:s12], [sflag:$0x1] =	stream.indirect_vreg.gather [hbm4b:s5+s3], $0x80, v3, vm0, $0xb8;
	[tilespmem:$0xC080] =	vst v63  }
0x2b: {  	v3 =	vld [tilespmem:$0x10];
	_ =	sdelay $0x4  }
0x2c: {  	v61 =	vshrl.u32 v3, $0x3  }
0x2d: {  	v4 =	vmul.u32 $0x30, v61  }
0x2e: {  	v3 =	vand.u32 $0x7, v3  }
0x2f: {  	v3 =	vor.u32 v3, v4  }
0x30: {  	v4 =	vperm.xlane v3, v0;
	_ =	sdelay $0x1  }
0x31: {  	v4 =	vadd.s32 v1, v4;
	_ =	sdelay $0x3  }
0x32: {  	v3 =	vperm.xlane v3, v2  }
0x33: {  	[tilespmem:s13], [sflag:$0x1] =	stream.indirect_vreg.gather [hbm4b:s2+s3], $0x80, v4, vm0, $0xb8;
	[tilespmem:$0xC080] =	vst v63  }
0x34: {  	v3 =	vadd.s32 v1, v3  }
0x35: {  	[tilespmem:s14], [sflag:$0x1] =	stream.indirect_vreg.gather [hbm4b:s4+s3], $0x80, v4, vm0, $0xb8;
	[tilespmem:$0xC080] =	vst v63  }
0x36: {  	_ = 	snop  }
0x37: {  	[tilespmem:s15], [sflag:$0x1] =	stream.indirect_vreg.gather [hbm4b:s5+s3], $0x80, v4, vm0, $0xb8;
	[tilespmem:$0xC080] =	vst v63  }
0x38: {  	_ = 	snop  }
0x39: {  	[tilespmem:s16], [sflag:$0x1] =	stream.indirect_vreg.gather [hbm4b:s2+s3], $0x80, v3, vm0, $0xb8;
	[tilespmem:$0xC080] =	vst v63  }
0x3a: {  	_ = 	snop  }
0x3b: {  	[tilespmem:s17], [sflag:$0x1] =	stream.indirect_vreg.gather [hbm4b:s4+s3], $0x80, v3, vm0, $0xb8;
	[tilespmem:$0xC080] =	vst v63  }
0x3c: {  	_ = 	snop  }
0x3d: {  	[tilespmem:s18], [sflag:$0x1] =	stream.indirect_vreg.gather [hbm4b:s5+s3], $0x80, v3, vm0, $0xb8;
	[tilespmem:$0xC080] =	vst v63  }
0x3e: {  	v3 =	vld [tilespmem:$0x20];
	_ =	sdelay $0x4  }
0x3f: {  	v62 =	vshrl.u32 v3, $0x3  }
0x40: {  	v4 =	vmul.u32 $0x30, v62  }
0x41: {  	v3 =	vand.u32 $0x7, v3  }
0x42: {  	v3 =	vor.u32 v3, v4  }
0x43: {  	v4 =	vperm.xlane v3, v0;
	_ =	sdelay $0x1  }
0x44: {  	v4 =	vadd.s32 v1, v4;
	_ =	sdelay $0x3  }
0x45: {  	v3 =	vperm.xlane v3, v2  }
0x46: {  	[tilespmem:s19], [sflag:$0x1] =	stream.indirect_vreg.gather [hbm4b:s2+s3], $0x80, v4, vm0, $0xb8;
	[tilespmem:$0xC080] =	vst v63  }
0x47: {  	v3 =	vadd.s32 v1, v3  }
0x48: {  	[tilespmem:s20], [sflag:$0x1] =	stream.indirect_vreg.gather [hbm4b:s4+s3], $0x80, v4, vm0, $0xb8;
	[tilespmem:$0xC080] =	vst v63  }
0x49: {  	_ = 	snop  }
0x4a: {  	[tilespmem:s21], [sflag:$0x1] =	stream.indirect_vreg.gather [hbm4b:s5+s3], $0x80, v4, vm0, $0xb8;
	[tilespmem:$0xC080] =	vst v63  }
0x4b: {  	_ = 	snop  }
0x4c: {  	[tilespmem:s22], [sflag:$0x1] =	stream.indirect_vreg.gather [hbm4b:s2+s3], $0x80, v3, vm0, $0xb8;
	[tilespmem:$0xC080] =	vst v63  }
0x4d: {  	_ = 	snop  }
0x4e: {  	[tilespmem:s23], [sflag:$0x1] =	stream.indirect_vreg.gather [hbm4b:s4+s3], $0x80, v3, vm0, $0xb8;
	[tilespmem:$0xC080] =	vst v63  }
0x4f: {  	_ = 	snop  }
0x50: {  	[tilespmem:s24], [sflag:$0x1] =	stream.indirect_vreg.gather [hbm4b:s5+s3], $0x80, v3, vm0, $0xb8;
	[tilespmem:$0xC080] =	vst v63  }
0x51: {  	v3 =	vld [tilespmem:$0x30];
	_ =	sdelay $0x4  }
0x52: {  	v63 =	vshrl.u32 v3, $0x3  }
0x53: {  	v4 =	vmul.u32 $0x30, v63  }
0x54: {  	v3 =	vand.u32 $0x7, v3  }
0x55: {  	v3 =	vor.u32 v3, v4  }
0x56: {  	v4 =	vperm.xlane v3, v0;
	_ =	sdelay $0x1  }
0x57: {  	v4 =	vadd.s32 v1, v4;
	_ =	sdelay $0x3  }
0x58: {  	v3 =	vperm.xlane v3, v2  }
0x59: {  	[tilespmem:s25], [sflag:$0x1] =	stream.indirect_vreg.gather [hbm4b:s2+s3], $0x80, v4, vm0, $0xb8;
	[tilespmem:$0xC080] =	vst v63  }
0x5a: {  	v3 =	vadd.s32 v1, v3  }
0x5b: {  	[tilespmem:s26], [sflag:$0x1] =	stream.indirect_vreg.gather [hbm4b:s4+s3], $0x80, v4, vm0, $0xb8;
	[tilespmem:$0xC080] =	vst v63  }
0x5c: {  	_ = 	snop  }
0x5d: {  	[tilespmem:s28], [sflag:$0x1] =	stream.indirect_vreg.gather [hbm4b:s5+s3], $0x80, v4, vm0, $0xb8;
	[tilespmem:$0xC080] =	vst v63  }
0x5e: {  	_ = 	snop  }
0x5f: {  	[tilespmem:s29], [sflag:$0x1] =	stream.indirect_vreg.gather [hbm4b:s2+s3], $0x80, v3, vm0, $0xb8;
	[tilespmem:$0xC080] =	vst v63  }
0x60: {  	_ = 	snop  }
0x61: {  	[tilespmem:s30], [sflag:$0x1] =	stream.indirect_vreg.gather [hbm4b:s4+s3], $0x80, v3, vm0, $0xb8;
	[tilespmem:$0xC080] =	vst v63  }
0x62: {  	_ = 	snop  }
0x63: {  	[tilespmem:s31], [sflag:$0x1] =	stream.indirect_vreg.gather [hbm4b:s5+s3], $0x80, v3, vm0, $0xb8;
	[tilespmem:$0xC080] =	vst v63  }
0x64: {  	_ =	swait.ge [sflag:s0], $0xC000  }
0x65: {  	p0 =	sne.s32 s6, $0x1;
	[sflag:s0] =	ssyncset.done $0x0  }
.Ltmp0:
0x66: {  	s1 =	rddreg [dreg:$0x4];
	[sflag:s0] =	ssyncadd.s32 $0xFFFF4000;
	(pc) =	sbr.rel @p0 .LBB2_1-.Ltmp0, $4  }
0x67: {  	[hbm4b:s1+s3] =	stream.linear.scatter [tilespmem:s8], [sflag:$0x2], $0xC000, $0x38;
	[tilespmem:$0xC080] =	vst v63  }
0x68: {  	_ =	swait.ge [sflag:s7], $0xC000  }
0x69: {  	[sflag:s7] =	ssyncset.done $0x0  }
0x6a: {  	s6 =	sadd.s32 $0xFFFFFFFF, s6;
	[sflag:s7] =	ssyncadd.s32 $0xFFFF4000  }
0x6b: {  	_ =	sfence.sel $0x180000  }
0x6c: {  	[bflag:$0x0] =	sbarrier.arrive $0xFFFF  }
0x6d: {  	_ =	strace $0x9000004D  }
0x6e: {  	s0 =	stileid.u32;
	[bflag:$0x2] =	sbarrier.arrive $0xFFFF  }
0x6f: {  	p0 =	sne.s32 s0, $0x0;
	s0 =	rddreg [dreg:$0x2]  }
0x70: {  	s0 =	sadd.s32 @!p0 $0x100000, s0  }
0x71: {  	[sflag:s0] =	ssyncadd.tile.s32 @!p0 $0x1;
	_ =	shalt  }
.Lfunc_end2:
_tile_overlayer_lowered:
.L_overlay_start_2:
0x72: {  	(tag) =	ssettag $0x2  }
0x73: {  	s0 =	rddreg [dreg:$0x0];
	s2 =	stileid.u32  }
0x74: {  	s1 =	rddreg [dreg:$0x1];
	p0 =	sne.s32 s2, $0x0  }
0x75: {  	s3 =	rddreg [dreg:$0x2];
	[bflag:$0x3] =	sbarrier.arrive $0xFFFF;
	s2 =	simm.s32 @!p0 $0x1C02  }
0x76: {  	[timem:s3], [sflag:s2] =	dma.local @!p0 [hbm:s0], s1  }
0x77: {  	s0 =	simm.s32 @!p0 $0x2  }
0x78: {  	_ =	swait.ge @!p0 [sflag:s0], s1  }
0x79: {  	s1 =	ssub.s32 @!p0 $0x0, s1;
	[sflag:s0] =	ssyncset.done @!p0 $0x0  }
0x7a: {  	[sflag:s0] =	ssyncadd.s32 @!p0 s1  }
0x7b: {  	[bflag:$0x3] =	sbarrier.arrive $0xFFFF  }
0x7c: {  	_ =	shalt  }

// kernel: kernel.8.cloned.1.call-start
scs
__scs_entry_jumppad:
0x0: {  	(pc) =	sbr.rel $0x88, $3  }
0x1: {  	(tag) =	ssettag $0x0;
	lr =	simm.s32 $0x1  }
0x2: {  	[smem:$0x3F9A] =	sst lr;
	_ =	strace $0xD0000000  }
0x3: {  	_ = 	snop  }
0x4: {  	_ = 	snop  }
0x5: {  	_ = 	snop  }
0x6: {  	_ = 	snop  }
0x7: {  	_ = 	snop  }
__scs_overlays_trampoline_lowered:
0x8: {  	[smem:$0x3FA9] =	sst s0  }
0x9: {  	[smem:$0x3FAA] =	sst s1  }
0xa: {  	[smem:$0x3FAB] =	sst s2  }
0xb: {  	[smem:$0x3FAC] =	sst s3  }
0xc: {  	[smem:$0x3FAD] =	sst s4  }
0xd: {  	[smem:$0x3FAE] =	sst s5  }
0xe: {  	[smem:$0x3FAF] =	sst s6  }
0xf: {  	[smem:$0x3FB0] =	sst s7  }
0x10: {  	[smem:$0x3FB1] =	sst s8  }
0x11: {  	[smem:$0x3FB2] =	sst s9;
	s0 =	simm.s32 @!p0 $0x0  }
0x12: {  	s1 =	sld [smem:$0x3F98];
	s0 =	simm.s32 @p0 $0x1  }
0x13: {  	[smem:$0x3FB3] =	sst s0;
	s0 =	simm.s32 @!p1 $0x0  }
0x14: {  	s2 =	sld [smem:$0x3F97];
	s0 =	simm.s32 @p1 $0x1  }
0x15: {  	[smem:$0x3FB4] =	sst s0;
	s0 =	simm.s32 @!p2 $0x0  }
0x16: {  	s3 =	sld [smem:$0x3FDB];
	s0 =	simm.s32 @p2 $0x1  }
0x17: {  	s4 =	simm.s32 $0x1BF5;
	[smem:$0x3FB6] =	sst s0  }
0x18: {  	s0 =	sld [smem:$0x3F99];
	_ =	swait.ge [sflag:s4], $0x0  }
0x19: {  	s7 =	sld [smem:$0x3F9A]  }
0x1a: {  	s8 =	sadd.s32 $0xFFFFE003, lr  }
0x1b: {  	s9 =	sadd.s32 $0xFFFFFEF7, lr;
	s5 =	simm.s32 $0xFFFFFFFF;
	p2 =	slt.u32 s8, $0xFFFFF086  }
0x1c: {  	p1 =	slt.u32 s9, $0xF7A;
	s5 =	simm.s32 @!p2 $0x0  }
0x1d: {  	s5 =	simm.s32 @p1 $0x1;
	p0 =	seq.s32 s7, s2  }
0x1e: {  	s7 =	smul.u32 @!p0 $0xF7A, s2;
	p2 =	seq.s32 @!p0 s5, $0x0  }
0x1f: {  	s9 =	smul.u32 $0xF7A, s1;
	s8 =	simm.s32 @!p0 $0x1BF5;
	p2 =	por !p2, p0  }
0x20: {  	[sflag:s8] =	ssyncset.s32 @!p0 $0xFFFFF086;
	s6 =	sadd.s32 @!p0 s3, s7;
	s7 =	simm.s32 @!p0 $0x108  }
0x21: {  	s3 =	sadd.s32 s3, s9;
	s6 =	sadd.s32 @!p0 $0x88, s6;
	s7 =	simm.s32 @p2 $0x1082  }
0x22: {  	[simem:s7], [sflag:s8] =	dma.local @!p0 [hbm:s6], $0xF7A  }
0x23: {  	s9 =	sor.u32 $0xD0000000, s2;
	s6 =	simm.s32 $0x108;
	_ =	swait.ge @!p0 [sflag:s8], $0x0  }
0x24: {  	s3 =	sadd.s32 $0x88, s3;
	s6 =	simm.s32 @!p1 $0x1082;
	[sflag:s4] =	ssyncset.s32 $0xFFFFF086  }
0x25: {  	[simem:s6], [sflag:s4] =	dma.local [hbm:s3], $0xF7A  }
0x26: {  	[smem:$0x3F9A] =	sst s1;
	(tag) =	ssettag s2;
	_ =	strace s9  }
0x27: {  	s1 =	sld [smem:$0x3FAA]  }
0x28: {  	s2 =	sld [smem:$0x3FAB]  }
0x29: {  	s4 =	sld [smem:$0x3FAD]  }
0x2a: {  	p0 =	seq.s32 s5, $0x0;
	s5 =	sld [smem:$0x3FAE]  }
0x2b: {  	s6 =	sld [smem:$0x3FAF]  }
0x2c: {  	s7 =	sld [smem:$0x3FB0]  }
0x2d: {  	s3 =	simm.s32 $0x108;
	s8 =	sld [smem:$0x3FB1]  }
0x2e: {  	s3 =	simm.s32 @!p0 $0x1082;
	s9 =	sld [smem:$0x3FB2]  }
0x2f: {  	lr =	sadd.s32 s0, s3;
	s0 =	sld [smem:$0x3FA9]  }
0x30: {  	s3 =	sld [smem:$0x3FAC]  }
0x31: {  	[smem:$0x3FB5] =	sst s10  }
0x32: {  	s10 =	sld [smem:$0x3FB3];
	_ =	sdelay $0x3  }
0x33: {  	p0 =	seq.s32 s10, $0x1;
	s10 =	sld [smem:$0x3FB5];
	_ =	sdelay $0x3  }
0x34: {  	[smem:$0x3FB5] =	sst s10  }
0x35: {  	s10 =	sld [smem:$0x3FB4];
	_ =	sdelay $0x3  }
0x36: {  	p1 =	seq.s32 s10, $0x1;
	s10 =	sld [smem:$0x3FB5];
	_ =	sdelay $0x3  }
0x37: {  	[smem:$0x3FB5] =	sst s10  }
0x38: {  	s10 =	sld [smem:$0x3FB6]  }
0x39: {  	_ = 	snop;
	(pc) =	sbr.ind lr, $3  }
0x3a: {  	_ = 	snop  }
0x3b: {  	_ = 	snop  }
0x3c: {  	p2 =	seq.s32 s10, $0x1;
	s10 =	sld [smem:$0x3FB5]  }
0x3d: {  	_ =	shalt  }
0x3e: {  	_ =	shalt  }
0x3f: {  	_ =	shalt  }
0x40: {  	_ =	shalt  }
0x41: {  	_ =	shalt  }
0x42: {  	_ =	shalt  }
0x43: {  	_ =	shalt  }
0x44: {  	_ =	shalt  }
0x45: {  	_ =	shalt  }
0x46: {  	_ =	shalt  }
0x47: {  	_ =	shalt  }
0x48: {  	_ =	shalt  }
0x49: {  	_ =	shalt  }
0x4a: {  	_ =	shalt  }
0x4b: {  	_ =	shalt  }
0x4c: {  	_ =	shalt  }
0x4d: {  	_ =	shalt  }
0x4e: {  	_ =	shalt  }
0x4f: {  	_ =	shalt  }
0x50: {  	_ =	shalt  }
0x51: {  	_ =	shalt  }
0x52: {  	_ =	shalt  }
0x53: {  	_ =	shalt  }
0x54: {  	_ =	shalt  }
0x55: {  	_ =	shalt  }
0x56: {  	_ =	shalt  }
0x57: {  	_ =	shalt  }
0x58: {  	_ =	shalt  }
0x59: {  	_ =	shalt  }
0x5a: {  	_ =	shalt  }
0x5b: {  	_ =	shalt  }
0x5c: {  	_ =	shalt  }
0x5d: {  	_ =	shalt  }
0x5e: {  	_ =	shalt  }
0x5f: {  	_ =	shalt  }
0x60: {  	_ =	shalt  }
0x61: {  	_ =	shalt  }
0x62: {  	_ =	shalt  }
0x63: {  	_ =	shalt  }
0x64: {  	_ =	shalt  }
0x65: {  	_ =	shalt  }
0x66: {  	_ =	shalt  }
0x67: {  	_ =	shalt  }
0x68: {  	_ =	shalt  }
0x69: {  	_ =	shalt  }
0x6a: {  	_ =	shalt  }
0x6b: {  	_ =	shalt  }
0x6c: {  	_ =	shalt  }
0x6d: {  	_ =	shalt  }
0x6e: {  	_ =	shalt  }
0x6f: {  	_ =	shalt  }
0x70: {  	_ =	shalt  }
0x71: {  	_ =	shalt  }
0x72: {  	_ =	shalt  }
0x73: {  	_ =	shalt  }
0x74: {  	_ =	shalt  }
0x75: {  	_ =	shalt  }
0x76: {  	_ =	shalt  }
0x77: {  	_ =	shalt  }
0x78: {  	_ =	shalt  }
0x79: {  	_ =	shalt  }
0x7a: {  	_ =	shalt  }
0x7b: {  	_ =	shalt  }
0x7c: {  	_ =	shalt  }
0x7d: {  	_ =	shalt  }
0x7e: {  	_ =	shalt  }
0x7f: {  	_ =	shalt  }
0x80: {  	_ =	shalt  }
0x81: {  	_ =	shalt  }
0x82: {  	_ =	shalt  }
0x83: {  	_ =	shalt  }
0x84: {  	_ =	shalt  }
0x85: {  	_ =	shalt  }
0x86: {  	_ =	shalt  }
0x87: {  	_ =	shalt  }
.Lfunc_end0:
.L_simem_size_0:
called_computation_lowered:
.L_overlay_start_0:
0x88: {  	s2 =	sld [smem:$0x3FD9]  }
0x89: {  	s3 =	sld [smem:$0x3FFE];
	_ =	sdelay $0x1  }
0x8a: {  	s1 =	srdreg.scid  }
0x8b: {  	s0 =	sand.u32 $0x1, s1  }
0x8c: {  	s17 =	sshll.u32 s0, $0xA;
	s2 =	sadd.s32 s3, s2  }
0x8d: {  	s2 =	sadd.s32 s2, s17  }
0x8e: {  	[smem:$0x3FC1] =	sst s2  }
0x8f: {  	_ = 	snop  }
0x90: {  	s2 =	sld [smem:$0x3FC7]  }
0x91: {  	s18 =	sld [smem:$0x3FD0];
	(tm) =	ssettm $0x1  }
0x92: {  	s4 =	sld [smem:$0x3FFB];
	_ =	sdelay $0x3  }
0x93: {  	_ =	strace s4  }
0x94: {  	s4 =	sld [smem:$0x3FFC];
	_ =	sdelay $0x3  }
0x95: {  	_ =	strace s4  }
0x96: {  	s4 =	sld [smem:$0x3FFD];
	_ =	sdelay $0x3  }
0x97: {  	_ =	strace s4  }
0x98: {  	_ =	strace $0x8FFFFFFF  }
0x99: {  	s19 =	sld [smem:$0x3FDB];
	_ =	sdelay $0x1  }
0x9a: {  	s5 =	simm.s32 $_scs_section_size  }
0x9b: {  	s6 =	simm.s32 $_size__tile_overlayer_lowered;
	s7 =	simm.s32 $_tile_overlayer_lowered  }
0x9c: {  	s22 =	simm.s32 $0x1BFF;
	s21 =	sshll.u32 s7, $0x1;
	s4 =	sadd.s32 s5, s19  }
0x9d: {  	s8 =	simm.s32 $0x0;
	s20 =	sshll.u32 s6, $0x1;
	s6 =	sadd.s32 s21, s4  }
0x9e: {  	[timem:s8], [sflag:s22] =	dma.local [hbm:s6], s20  }
0x9f: {  	_ =	swait.ge [sflag:s22], s20  }
0xa0: {  	s5 =	ssub.s32 $0x0, s20;
	[sflag:s22] =	ssyncset.done $0x0  }
0xa1: {  	[sflag:s22] =	ssyncadd.s32 s5;
	_ =	sdelay $0x1  }
0xa2: {  	s23 =	simm.s32 $0x1B8B  }
0xa3: {  	_ =	swait.ge [sflag:s23], $0x1  }
0xa4: {  	[sflag:s23] =	ssyncset.done $0x0  }
0xa5: {  	s25 =	simm.s32 $0x1B8E;
	s24 =	sld [smem:$0x3FFE];
	[sflag:s23] =	ssyncadd.s32 $0xFFFFFFFF  }
0xa6: {  	s26 =	simm.s32 $execute0_lowered;
	[smem:$0x3FD2] =	sst s25  }
0xa7: {  	s6 =	sshll.u32 s26, $0x1;
	_ =	strace $0x80000046;
	[dreg:$0x1] =	wrdreg $0xFFFFFFFF  }
0xa8: {  	s28 =	simm.s32 $_size_execute0_lowered;
	s4 =	sadd.s32 s4, s6;
	[dreg:$0x0] =	wrdreg $0x0  }
0xa9: {  	s6 =	sshll.u32 s28, $0x1;
	[dreg:$0x2] =	wrdreg s4  }
0xaa: {  	[dreg:$0x3] =	wrdreg s6  }
0xab: {  	[dreg:$0x4] =	wrdreg $0xC0  }
0xac: {  	_ =	task [dreg:s8], $0x5FFFF  }
0xad: {  	[dreg:$0x1] =	wrdreg $0xFFFFFFFF  }
0xae: {  	[dreg:$0x0] =	wrdreg $0x60  }
0xaf: {  	[dreg:$0x2] =	wrdreg s2  }
0xb0: {  	[dreg:$0x3] =	wrdreg s24  }
0xb1: {  	[dreg:$0x4] =	wrdreg s18  }
0xb2: {  	[dreg:$0x5] =	wrdreg $0x9  }
0xb3: {  	_ =	task.clear_ibuf [dreg:s8], $0x6FFFF;
	_ =	strace $0x90000046  }
0xb4: {  	s29 =	simm.s32 $0x9;
	_ =	strace $0x80000048  }
0xb5: {  	_ =	swait.ge [sflag:s29], $0x1  }
0xb6: {  	[sflag:s29] =	ssyncadd.s32 $0xFFFFFFFF  }
0xb7: {  	_ =	strace $0x90000048  }
0xb8: {  	_ =	sfence  }
0xb9: {  	s30 =	sld [smem:$0x0];
	_ =	sdelay $0x2  }
0xba: {  	s31 =	sshll.u32 s1, $0xD;
	s1 =	sshrl.u32 s1, $0x2  }
0xbb: {  	s3 =	sand.u32 $0x4000, s31;
	s1 =	sadd.s32 s1, s30  }
0xbc: {  	s0 =	sor.u32 s3, s0;
	s1 =	sshll.u32 s1, $0x11  }
0xbd: {  	s0 =	sor.u32 s1, s0  }
0xbe: {  	s0 =	sadd.s32 $0x8F2B, s0  }
0xbf: {  	[sflag:s0] =	ssyncadd.remote.s32 $0x1  }
0xc0: {  	_ =	sfence.sel $0xFFFF  }
0xc1: {  	[dreg:$0x0] =	wrdreg $0xFFFFFFFF;
	(pc) =	sbr.abs _section_cstart, $3  }
0xc2: {  	[dreg:$0x1] =	wrdreg $0xFFFFFFFF  }
0xc3: {  	_ =	task.clear_ibuf [dreg:s8], $0x2FFFF;
	_ =	strace $0x9FFFFFFF  }
0xc4: {  	(tm) =	ssettm $0x7FFFFFFF  }
0xc5: {  	_ =	shalt  }
tec
execute0_lowered:
.L_overlay_start_1:
0x0: {  	(tag) =	ssettag $0x1  }
0x1: {  	s2 =	rddreg [dreg:$0x0]  }
0x2: {  	s0 =	rddreg [dreg:$0x1];
	s3 =	srdreg.scid  }
0x3: {  	s5 =	rddreg [dreg:$0x2];
	s1 =	stileid.u32  }
0x4: {  	s26 =	simm.s32 $0x880;
	s9 =	simm.s32 $0x1080;
	s10 =	simm.s32 $0x1880  }
0x5: {  	s11 =	simm.s32 $0x2080;
	s12 =	simm.s32 $0x2880;
	s13 =	simm.s32 $0x3080  }
0x6: {  	s14 =	simm.s32 $0x3880;
	s15 =	simm.s32 $0x4080;
	s16 =	simm.s32 $0x4880  }
0x7: {  	s17 =	simm.s32 $0x5080;
	s18 =	simm.s32 $0x5880;
	s19 =	simm.s32 $0x6080  }
0x8: {  	s20 =	simm.s32 $0x6880;
	s21 =	simm.s32 $0x7080;
	s22 =	simm.s32 $0x7880  }
0x9: {  	s23 =	simm.s32 $0x8080;
	s28 =	simm.s32 $0xA080;
	s29 =	simm.s32 $0xA880  }
0xa: {  	s30 =	simm.s32 $0xB080;
	s31 =	simm.s32 $0xB880;
	s4 =	sand.u32 $0x1, s3  }
0xb: {  	s6 =	sshll.u32 s1, $0x4;
	s3 =	simm.s32 $0x0;
	s7 =	sshll.u32 s4, $0x3  }
0xc: {  	s4 =	ssub.s32 $0x2, s4;
	[smem:$0x7FF] =	sst s3;
	s6 =	sor.u32 s7, s6  }
0xd: {  	s24 =	sshrl.u32 s4, $0x1;
	_ =	strace $0x80000047;
	[dreg:$0x6] =	wrdreg s26  }
0xe: {  	s26 =	simm.s32 $0x9880;
	s8 =	smul.u32 $0x300, s6;
	s7 =	ssub.s32 s4, s24  }
0xf: {  	s0 =	sadd.s32 s0, s6;
	s4 =	sadd.s32 $0x100, s2;
	s24 =	simm.s32 $0x8880  }
0x10: {  	v2 =	vlaneseq.u32;
	[dreg:$0x4] =	wrdreg s0;
	s6 =	smax.u32 s7, $0x1;
	s7 =	simm.s32 $0x2  }
0x11: {  	vm0 =	vmmov $0xffff;
	v1 =	vshrl.u32 v2, $0x3;
	s0 =	simm.s32 $0x1;
	s25 =	sadd.s32 s5, s8;
	s5 =	sadd.s32 $0x200, s2  }
0x12: {  	v0 =	vand.u32 $0x7, v2;
	v2 =	vor.u32 $0x8, v2;
	v1 =	vmul.u32 $0x8, v1;
	s8 =	simm.s32 $0x80;
	[dreg:$0x5] =	wrdreg s25;
	s25 =	simm.s32 $0x9080  }
.LBB2_1:
0x13: {  	s1 =	rddreg [dreg:$0x4]  }
0x14: {  	[tilespmem:s3], [sflag:$0x2] =	stream.linear.gather [hbm4b:s1+s3], $0x40, $0x38;
	[tilespmem:$0xC080] =	vst v63  }
0x15: {  	_ =	swait.ge [sflag:s7], $0x40  }
0x16: {  	[sflag:s7] =	ssyncset.done $0x0  }
0x17: {  	[sflag:s7] =	ssyncadd.s32 $0xFFFFFFC0  }
0x18: {  	v3 =	vld [tilespmem:$0x0];
	_ =	sdelay $0x4  }
0x19: {  	v4 =	vshrl.u32 v3, $0x3  }
0x1a: {  	v4 =	vmul.u32 $0x30, v4  }
0x1b: {  	v3 =	vand.u32 $0x7, v3  }
0x1c: {  	v3 =	vor.u32 v3, v4  }
0x1d: {  	v4 =	vperm.xlane v3, v0;
	_ =	sdelay $0x1  }
0x1e: {  	v4 =	vadd.s32 v1, v4;
	_ =	sdelay $0x3  }
0x1f: {  	v3 =	vperm.xlane v3, v2  }
0x20: {  	[tilespmem:s8], [sflag:$0x1] =	stream.indirect_vreg.gather [hbm4b:s2+s3], $0x80, v4, vm0, $0xb8;
	[tilespmem:$0xC080] =	vst v63  }
0x21: {  	s1 =	rddreg [dreg:$0x6];
	v3 =	vadd.s32 v1, v3  }
0x22: {  	[tilespmem:s1], [sflag:$0x1] =	stream.indirect_vreg.gather [hbm4b:s4+s3], $0x80, v4, vm0, $0xb8;
	[tilespmem:$0xC080] =	vst v63  }
0x23: {  	_ = 	snop  }
0x24: {  	[tilespmem:s9], [sflag:$0x1] =	stream.indirect_vreg.gather [hbm4b:s5+s3], $0x80, v4, vm0, $0xb8;
	[tilespmem:$0xC080] =	vst v63  }
0x25: {  	_ = 	snop  }
0x26: {  	[tilespmem:s10], [sflag:$0x1] =	stream.indirect_vreg.gather [hbm4b:s2+s3], $0x80, v3, vm0, $0xb8;
	[tilespmem:$0xC080] =	vst v63  }
0x27: {  	_ = 	snop  }
0x28: {  	[tilespmem:s11], [sflag:$0x1] =	stream.indirect_vreg.gather [hbm4b:s4+s3], $0x80, v3, vm0, $0xb8;
	[tilespmem:$0xC080] =	vst v63  }
0x29: {  	_ = 	snop  }
0x2a: {  	[tilespmem:s12], [sflag:$0x1] =	stream.indirect_vreg.gather [hbm4b:s5+s3], $0x80, v3, vm0, $0xb8;
	[tilespmem:$0xC080] =	vst v63  }
0x2b: {  	v3 =	vld [tilespmem:$0x10];
	_ =	sdelay $0x4  }
0x2c: {  	v61 =	vshrl.u32 v3, $0x3  }
0x2d: {  	v4 =	vmul.u32 $0x30, v61  }
0x2e: {  	v3 =	vand.u32 $0x7, v3  }
0x2f: {  	v3 =	vor.u32 v3, v4  }
0x30: {  	v4 =	vperm.xlane v3, v0;
	_ =	sdelay $0x1  }
0x31: {  	v4 =	vadd.s32 v1, v4;
	_ =	sdelay $0x3  }
0x32: {  	v3 =	vperm.xlane v3, v2  }
0x33: {  	[tilespmem:s13], [sflag:$0x1] =	stream.indirect_vreg.gather [hbm4b:s2+s3], $0x80, v4, vm0, $0xb8;
	[tilespmem:$0xC080] =	vst v63  }
0x34: {  	v3 =	vadd.s32 v1, v3  }
0x35: {  	[tilespmem:s14], [sflag:$0x1] =	stream.indirect_vreg.gather [hbm4b:s4+s3], $0x80, v4, vm0, $0xb8;
	[tilespmem:$0xC080] =	vst v63  }
0x36: {  	_ = 	snop  }
0x37: {  	[tilespmem:s15], [sflag:$0x1] =	stream.indirect_vreg.gather [hbm4b:s5+s3], $0x80, v4, vm0, $0xb8;
	[tilespmem:$0xC080] =	vst v63  }
0x38: {  	_ = 	snop  }
0x39: {  	[tilespmem:s16], [sflag:$0x1] =	stream.indirect_vreg.gather [hbm4b:s2+s3], $0x80, v3, vm0, $0xb8;
	[tilespmem:$0xC080] =	vst v63  }
0x3a: {  	_ = 	snop  }
0x3b: {  	[tilespmem:s17], [sflag:$0x1] =	stream.indirect_vreg.gather [hbm4b:s4+s3], $0x80, v3, vm0, $0xb8;
	[tilespmem:$0xC080] =	vst v63  }
0x3c: {  	_ = 	snop  }
0x3d: {  	[tilespmem:s18], [sflag:$0x1] =	stream.indirect_vreg.gather [hbm4b:s5+s3], $0x80, v3, vm0, $0xb8;
	[tilespmem:$0xC080] =	vst v63  }
0x3e: {  	v3 =	vld [tilespmem:$0x20];
	_ =	sdelay $0x4  }
0x3f: {  	v62 =	vshrl.u32 v3, $0x3  }
0x40: {  	v4 =	vmul.u32 $0x30, v62  }
0x41: {  	v3 =	vand.u32 $0x7, v3  }
0x42: {  	v3 =	vor.u32 v3, v4  }
0x43: {  	v4 =	vperm.xlane v3, v0;
	_ =	sdelay $0x1  }
0x44: {  	v4 =	vadd.s32 v1, v4;
	_ =	sdelay $0x3  }
0x45: {  	v3 =	vperm.xlane v3, v2  }
0x46: {  	[tilespmem:s19], [sflag:$0x1] =	stream.indirect_vreg.gather [hbm4b:s2+s3], $0x80, v4, vm0, $0xb8;
	[tilespmem:$0xC080] =	vst v63  }
0x47: {  	v3 =	vadd.s32 v1, v3  }
0x48: {  	[tilespmem:s20], [sflag:$0x1] =	stream.indirect_vreg.gather [hbm4b:s4+s3], $0x80, v4, vm0, $0xb8;
	[tilespmem:$0xC080] =	vst v63  }
0x49: {  	_ = 	snop  }
0x4a: {  	[tilespmem:s21], [sflag:$0x1] =	stream.indirect_vreg.gather [hbm4b:s5+s3], $0x80, v4, vm0, $0xb8;
	[tilespmem:$0xC080] =	vst v63  }
0x4b: {  	_ = 	snop  }
0x4c: {  	[tilespmem:s22], [sflag:$0x1] =	stream.indirect_vreg.gather [hbm4b:s2+s3], $0x80, v3, vm0, $0xb8;
	[tilespmem:$0xC080] =	vst v63  }
0x4d: {  	_ = 	snop  }
0x4e: {  	[tilespmem:s23], [sflag:$0x1] =	stream.indirect_vreg.gather [hbm4b:s4+s3], $0x80, v3, vm0, $0xb8;
	[tilespmem:$0xC080] =	vst v63  }
0x4f: {  	_ = 	snop  }
0x50: {  	[tilespmem:s24], [sflag:$0x1] =	stream.indirect_vreg.gather [hbm4b:s5+s3], $0x80, v3, vm0, $0xb8;
	[tilespmem:$0xC080] =	vst v63  }
0x51: {  	v3 =	vld [tilespmem:$0x30];
	_ =	sdelay $0x4  }
0x52: {  	v63 =	vshrl.u32 v3, $0x3  }
0x53: {  	v4 =	vmul.u32 $0x30, v63  }
0x54: {  	v3 =	vand.u32 $0x7, v3  }
0x55: {  	v3 =	vor.u32 v3, v4  }
0x56: {  	v4 =	vperm.xlane v3, v0;
	_ =	sdelay $0x1  }
0x57: {  	v4 =	vadd.s32 v1, v4;
	_ =	sdelay $0x3  }
0x58: {  	v3 =	vperm.xlane v3, v2  }
0x59: {  	[tilespmem:s25], [sflag:$0x1] =	stream.indirect_vreg.gather [hbm4b:s2+s3], $0x80, v4, vm0, $0xb8;
	[tilespmem:$0xC080] =	vst v63  }
0x5a: {  	v3 =	vadd.s32 v1, v3  }
0x5b: {  	[tilespmem:s26], [sflag:$0x1] =	stream.indirect_vreg.gather [hbm4b:s4+s3], $0x80, v4, vm0, $0xb8;
	[tilespmem:$0xC080] =	vst v63  }
0x5c: {  	_ = 	snop  }
0x5d: {  	[tilespmem:s28], [sflag:$0x1] =	stream.indirect_vreg.gather [hbm4b:s5+s3], $0x80, v4, vm0, $0xb8;
	[tilespmem:$0xC080] =	vst v63  }
0x5e: {  	_ = 	snop  }
0x5f: {  	[tilespmem:s29], [sflag:$0x1] =	stream.indirect_vreg.gather [hbm4b:s2+s3], $0x80, v3, vm0, $0xb8;
	[tilespmem:$0xC080] =	vst v63  }
0x60: {  	_ = 	snop  }
0x61: {  	[tilespmem:s30], [sflag:$0x1] =	stream.indirect_vreg.gather [hbm4b:s4+s3], $0x80, v3, vm0, $0xb8;
	[tilespmem:$0xC080] =	vst v63  }
0x62: {  	_ = 	snop  }
0x63: {  	[tilespmem:s31], [sflag:$0x1] =	stream.indirect_vreg.gather [hbm4b:s5+s3], $0x80, v3, vm0, $0xb8;
	[tilespmem:$0xC080] =	vst v63  }
0x64: {  	_ =	swait.ge [sflag:s0], $0xC000  }
0x65: {  	p0 =	sne.s32 s6, $0x1;
	[sflag:s0] =	ssyncset.done $0x0  }
.Ltmp0:
0x66: {  	s1 =	rddreg [dreg:$0x5];
	[sflag:s0] =	ssyncadd.s32 $0xFFFF4000;
	(pc) =	sbr.rel @p0 .LBB2_1-.Ltmp0, $4  }
0x67: {  	[hbm4b:s1+s3] =	stream.linear.scatter [tilespmem:s8], [sflag:$0x2], $0xC000, $0x38;
	[tilespmem:$0xC080] =	vst v63  }
0x68: {  	_ =	swait.ge [sflag:s7], $0xC000  }
0x69: {  	[sflag:s7] =	ssyncset.done $0x0  }
0x6a: {  	s6 =	sadd.s32 $0xFFFFFFFF, s6;
	[sflag:s7] =	ssyncadd.s32 $0xFFFF4000  }
0x6b: {  	_ =	sfence.sel $0x180000  }
0x6c: {  	[bflag:$0x0] =	sbarrier.arrive $0xFFFF  }
0x6d: {  	_ =	strace $0x90000047  }
0x6e: {  	s0 =	stileid.u32;
	[bflag:$0x2] =	sbarrier.arrive $0xFFFF  }
0x6f: {  	p0 =	sne.s32 s0, $0x0;
	s0 =	rddreg [dreg:$0x3]  }
0x70: {  	s0 =	sadd.s32 @!p0 $0x100000, s0  }
0x71: {  	[sflag:s0] =	ssyncadd.tile.s32 @!p0 $0x1;
	_ =	shalt  }
.Lfunc_end2:
_tile_overlayer_lowered:
.L_overlay_start_2:
0x72: {  	(tag) =	ssettag $0x2  }
0x73: {  	s0 =	rddreg [dreg:$0x0];
	s2 =	stileid.u32  }
0x74: {  	s1 =	rddreg [dreg:$0x1];
	p0 =	sne.s32 s2, $0x0  }
0x75: {  	s3 =	rddreg [dreg:$0x2];
	[bflag:$0x3] =	sbarrier.arrive $0xFFFF;
	s2 =	simm.s32 @!p0 $0x1C02  }
0x76: {  	[timem:s3], [sflag:s2] =	dma.local @!p0 [hbm:s0], s1  }
0x77: {  	s0 =	simm.s32 @!p0 $0x2  }
0x78: {  	_ =	swait.ge @!p0 [sflag:s0], s1  }
0x79: {  	s1 =	ssub.s32 @!p0 $0x0, s1;
	[sflag:s0] =	ssyncset.done @!p0 $0x0  }
0x7a: {  	[sflag:s0] =	ssyncadd.s32 @!p0 s1  }
0x7b: {  	[bflag:$0x3] =	sbarrier.arrive $0xFFFF  }
0x7c: {  	_ =	shalt  }

</sc_bundles>
